<compile_context>
chip_gen: v7x
topology: tpu7x:2x2x1
jax: 0.10.2.dev20260603
libtpu: 0.0.44.dev20260713+nightly
codegen_flags: <defaults>
</compile_context>

<pallas_src>
import jax
import jax.numpy as jnp
from jax import lax
from jax.experimental import pallas as pl
from jax.experimental.pallas import tpu as pltpu
from jax.experimental.pallas import tpu_sc as plsc

N = 10000
E = 320000
D = 128
CH = 80
NC = 2
NS = 16
NP = 10240
RPT = NP // NS
ZR = 128
IB = 25
IBA = 50
CHA = 40
GB = 5
K1_ROWS = E // CH // (NC * NS)
K3_ROWS = E // CHA // NS
K1_G = K1_ROWS // IB
K3_G = K3_ROWS // IBA
RB = 1000
DW = 128


def _deg_body(col_hbm, ones_hbm, z_hbm, dp_hbm, ones_v, idx_v, acc, sem):
    c = lax.axis_index("c")
    s = lax.axis_index("s")
    wid = c * NS + s
    pltpu.sync_copy(ones_hbm, ones_v)
    for k in range(RPT // ZR):
        pltpu.sync_copy(z_hbm, acc.at[pl.ds(s * RPT + k * ZR, ZR)])
    plsc.subcore_barrier()

    def outer(g, carry):
        pltpu.sync_copy(col_hbm.at[wid, g], idx_v)

        def fire(i, c2):
            pltpu.async_copy(ones_v, acc.at[idx_v.at[i]], sem, add=True)
            return c2

        def drain(i, c2):
            pltpu.make_async_copy(ones_v, acc.at[idx_v.at[i]], sem).wait()
            return c2

        r = lax.fori_loop(0, IB, fire, carry)
        return lax.fori_loop(0, IB, drain, r)

    lax.fori_loop(0, K1_G, outer, 0)
    plsc.subcore_barrier()
    sl = pl.ds(s * RPT, RPT)
    pltpu.sync_copy(acc.at[sl], dp_hbm.at[c, sl])


_deg_call = pl.kernel(
    _deg_body,
    out_type=jax.ShapeDtypeStruct((NC, NP, DW), jnp.float32),
    mesh=plsc.VectorSubcoreMesh(core_axis_name="c", subcore_axis_name="s"),
    scratch_types=[
        pltpu.VMEM((CH, DW), jnp.float32),
        pltpu.VMEM((IB, CH), jnp.int32),
        pltpu.VMEM_SHARED((NP, DW), jnp.float32),
        pltpu.SemaphoreType.DMA,
    ],
)


def _agg_body(row_hbm, col_hbm, u_hbm, v_hbm, z_hbm,
              U_hbm, V_hbm, idxr, idxc, gb0, gb1, gb2, gb3, gb4, acc,
              sg0, sg1, sg2, sg3, sg4, ss0, ss1, ss2, ss3, ss4):
    c = lax.axis_index("c")
    s = lax.axis_index("s")
    gbufs = [gb0, gb1, gb2, gb3, gb4]
    gsems = [sg0, sg1, sg2, sg3, sg4]
    ssems = [ss0, ss1, ss2, ss3, ss4]
    for k in range(RPT // ZR):
        pltpu.sync_copy(z_hbm, acc.at[pl.ds(s * RPT + k * ZR, ZR)])
    plsc.subcore_barrier()

    def outer(g, carry):
        pltpu.sync_copy(row_hbm.at[s, g], idxr)
        pltpu.sync_copy(col_hbm.at[s, g], idxc)

        def group(j, c2):
            for k in range(GB):
                i = j * GB + k

                @pl.when(j > 0)
                def _(k=k, i=i):
                    pltpu.make_async_copy(
                        gbufs[k], acc.at[idxr.at[i]], ssems[k]).wait()

                @pl.when(c == 0)
                def _(k=k, i=i):
                    pltpu.async_copy(u_hbm.at[idxc.at[i]], gbufs[k], gsems[k])

                @pl.when(c == 1)
                def _(k=k, i=i):
                    pltpu.async_copy(v_hbm.at[idxc.at[i]], gbufs[k], gsems[k])

            for k in range(GB):
                i = j * GB + k

                @pl.when(c == 0)
                def _(k=k, i=i):
                    pltpu.make_async_copy(
                        u_hbm.at[idxc.at[i]], gbufs[k], gsems[k]).wait()

                @pl.when(c == 1)
                def _(k=k, i=i):
                    pltpu.make_async_copy(
                        v_hbm.at[idxc.at[i]], gbufs[k], gsems[k]).wait()

                pltpu.async_copy(gbufs[k], acc.at[idxr.at[i]], ssems[k],
                                 add=True)

            return c2

        r = lax.fori_loop(0, IBA // GB, group, carry)
        for k in range(GB):
            i = IBA - GB + k
            pltpu.make_async_copy(
                gbufs[k], acc.at[idxr.at[i]], ssems[k]).wait()
        return r

    lax.fori_loop(0, K3_G, outer, 0)
    plsc.subcore_barrier()
    sl = pl.ds(s * RPT, RPT)

    @pl.when(c == 0)
    def _():
        pltpu.sync_copy(acc.at[sl], U_hbm.at[sl])

    @pl.when(c == 1)
    def _():
        pltpu.sync_copy(acc.at[sl], V_hbm.at[sl])


_agg_call = pl.kernel(
    _agg_body,
    out_type=(
        jax.ShapeDtypeStruct((NP, D), jnp.float32),
        jax.ShapeDtypeStruct((NP, D), jnp.float32),
    ),
    mesh=plsc.VectorSubcoreMesh(core_axis_name="c", subcore_axis_name="s"),
    scratch_types=(
        [pltpu.VMEM((IBA, CHA), jnp.int32)] * 2
        + [pltpu.VMEM((CHA, D), jnp.float32)] * GB
        + [pltpu.VMEM_SHARED((NP, D), jnp.float32)]
        + [pltpu.SemaphoreType.DMA] * (2 * GB)
    ),
)


def _mx_body(x_ref, o_ref):
    o_ref[0, 0] = jnp.max(x_ref[...])


def _mx_call(x):
    return pl.pallas_call(
        _mx_body,
        out_shape=jax.ShapeDtypeStruct((1, 1), jnp.float32),
        out_specs=pl.BlockSpec(memory_space=pltpu.SMEM),
    )(x)


def _tab_body(mx_ref, p_ref, x_ref, dp_ref, u_ref, v_ref):
    pp = jax.nn.sigmoid(p_ref[0, 0]) * 2.0
    m = pp * mx_ref[0, 0]
    dp = dp_ref[...]
    deg = dp[0, :, 0] + dp[1, :, 0]
    dis = jnp.where(deg > 0, lax.rsqrt(deg), 0.0)
    xb = x_ref[...]
    u = jnp.exp(pp * xb - m) * dis[:, None]
    u_ref[...] = u
    v_ref[...] = u * xb


def _tab_call(mx, p2, x, dp):
    return pl.pallas_call(
        _tab_body,
        grid=(N // RB,),
        in_specs=[
            pl.BlockSpec((1, 1), lambda i: (0, 0), memory_space=pltpu.SMEM),
            pl.BlockSpec((1, 1), lambda i: (0, 0), memory_space=pltpu.SMEM),
            pl.BlockSpec((RB, D), lambda i: (i, 0)),
            pl.BlockSpec((NC, RB, DW), lambda i: (0, i, 0)),
        ],
        out_specs=[
            pl.BlockSpec((RB, D), lambda i: (i, 0)),
            pl.BlockSpec((RB, D), lambda i: (i, 0)),
        ],
        out_shape=[
            jax.ShapeDtypeStruct((N, D), jnp.float32),
            jax.ShapeDtypeStruct((N, D), jnp.float32),
        ],
    )(mx, p2, x, dp)


def _out_body(e_ref, U_ref, V_ref, x_ref, dp_ref, o_ref):
    dp = dp_ref[...]
    deg = dp[0, :, 0] + dp[1, :, 0]
    dis = jnp.where(deg > 0, lax.rsqrt(deg), 0.0)[:, None]
    xb = x_ref[...]
    agg = (dis * V_ref[...]) / (dis * U_ref[...] + 1e-6)
    o_ref[...] = agg + (1.0 + e_ref[0, 0]) * xb


def _out_call(e2, U, V, x, dp):
    return pl.pallas_call(
        _out_body,
        grid=(N // RB,),
        in_specs=[
            pl.BlockSpec((1, 1), lambda i: (0, 0), memory_space=pltpu.SMEM),
            pl.BlockSpec((RB, D), lambda i: (i, 0)),
            pl.BlockSpec((RB, D), lambda i: (i, 0)),
            pl.BlockSpec((RB, D), lambda i: (i, 0)),
            pl.BlockSpec((NC, RB, DW), lambda i: (0, i, 0)),
        ],
        out_specs=pl.BlockSpec((RB, D), lambda i: (i, 0)),
        out_shape=jax.ShapeDtypeStruct((N, D), jnp.float32),
    )(e2, U, V, x, dp)


def kernel(x, edge_index, eps, p):
    row = edge_index[0]
    col = edge_index[1]
    row3 = row.reshape(NS, K3_G, IBA, CHA)
    col3 = col.reshape(NS, K3_G, IBA, CHA)
    col3d = col.reshape(NC * NS, K1_G, IB, CH)
    onesW = jnp.ones((CH, DW), jnp.float32)
    zW = jnp.zeros((ZR, DW), jnp.float32)
    zD = jnp.zeros((ZR, D), jnp.float32)

    dp = _deg_call(col3d, onesW, zW)
    mx = _mx_call(x)
    u, v = _tab_call(mx, p.reshape(1, 1), x, dp)
    U, V = _agg_call(row3, col3, u, v, zD)
    return _out_call(eps.reshape(1, 1), U, V, x, dp)

# --- scband reference (transcript-rebuilt; emitter-appended) ---
"""Pipeline reference for scband-gcnconv-s-86148454023368 (READ-ONLY COPY).

The authoritative reference and input builder live on the scoring server;
editing this copy changes nothing except your own understanding.
"""

import jax, jax.numpy as jnp
import numpy as np

N_NODES = 10000
N_EDGES = 320000
D_FEAT = 128


def setup_inputs(seed: int = 0) -> dict:
    key = jax.random.key(seed)
    k1, k2, k3 = jax.random.split(key, 3)
    x = jax.random.normal(k1, (N_NODES, D_FEAT), dtype=jnp.float32)
    edge_index = jax.random.randint(k2, (2, N_EDGES), 0, N_NODES, dtype=jnp.int32)
    # learned parameters per __init__(eps=0, train_eps=True, NonLinear=True)
    eps = jnp.zeros((1,), dtype=jnp.float32)
    p = jax.random.uniform(k3, (1,), minval=-1.0, maxval=1.0, dtype=jnp.float32)
    return {"x": x, "edge_index": edge_index, "eps": eps, "p": p}


def reference(x, edge_index, eps, p):
    row = edge_index[0]
    col = edge_index[1]
    n = x.shape[0]
    # deg = degree(col, N)
    deg = jnp.zeros((n,), dtype=x.dtype).at[col].add(1.0)
    deg_inv_sqrt = jnp.power(deg, -0.5)
    deg_inv_sqrt = jnp.where(jnp.isinf(deg_inv_sqrt), 0.0, deg_inv_sqrt)
    norm = deg_inv_sqrt[row] * deg_inv_sqrt[col]
    # NonLinear branch
    pp = jax.nn.sigmoid(p) * 2.0
    scale = pp * x
    softmax = jnp.exp(scale - jnp.max(scale))
    # scatter_add(softmax[col] * norm[:, None], row, dim_size=N)
    deg_div = jnp.zeros((n, x.shape[1]), dtype=x.dtype).at[row].add(softmax[col, :] * norm[:, None])
    weights = softmax[col, :] / (deg_div[row, :] + 1e-06)
    agg = jnp.zeros((n, x.shape[1]), dtype=x.dtype).at[row].add(weights * x[col, :] * norm[:, None])
    out = agg + (1.0 + eps) * x
    return out

if __name__ == "__main__":
    import jax
    _d = setup_inputs()
    print(jax.jit(kernel)(*tuple(_d.values())))

</pallas_src>

<mosaic_0001>
#map = affine_map<(d0, d1) -> (0, 0, 0, 0)>
#map1 = affine_map<(d0, d1) -> (0, 0)>
#map2 = affine_map<(d0, d1) -> (0, 0, 0)>
module attributes {stable_mosaic.version = 14 : i64} {
  func.func @_deg_body(%arg0: i32, %arg1: i32, %arg2: memref<32x5x25x80xi32, #tpu.memory_space<hbm>>, %arg3: memref<80x128xf32, #tpu.memory_space<hbm>>, %arg4: memref<128x128xf32, #tpu.memory_space<hbm>>, %arg5: memref<2x10240x128xf32, #tpu.memory_space<hbm>>, %arg6: memref<80x128xf32, #tpu.memory_space<vmem>>, %arg7: memref<25x80xi32, #tpu.memory_space<vmem>>, %arg8: memref<10240x128xf32, #tpu.memory_space<vmem_shared>>, %arg9: memref<!tpu.dma_semaphore, #tpu.memory_space<semaphore_mem>>) attributes {dimension_semantics = [#tpu.dimension_semantics<core_parallel>, #tpu.dimension_semantics<subcore_parallel>], iteration_bounds = array<i64: 2, 16>, scalar_prefetch = 0 : i64, scratch_operands = 4 : i64, tpu.core_type = #tpu.core_type<sc_vector_subcore>, window_params = [{transform_indices = #map}, {transform_indices = #map1}, {transform_indices = #map1}, {transform_indices = #map2}]} {
    %mul3A = arith.constant 16 : i32
    %mul3A_0 = arith.muli %arg0, %mul3A : i32
    %add3A = arith.addi %mul3A_0, %arg1 : i32
    "tpu.region"() ({
      %run_scoped3A = tpu.sem_alloc : memref<!tpu.dma_semaphore, #tpu.memory_space<semaphore_mem>>
      tpu.enqueue_dma source(%arg3 : memref<80x128xf32, #tpu.memory_space<hbm>>) target(%arg6 : memref<80x128xf32, #tpu.memory_space<vmem>>) target_semaphore(%run_scoped3A : memref<!tpu.dma_semaphore, #tpu.memory_space<semaphore_mem>>)
      tpu.wait_dma2 semaphore(%run_scoped3A : memref<!tpu.dma_semaphore, #tpu.memory_space<semaphore_mem>>) src(%arg3 : memref<80x128xf32, #tpu.memory_space<hbm>>) dst(%arg6 : memref<80x128xf32, #tpu.memory_space<vmem>>)
      tpu.yield
    }) : () -> ()
    %mul3A_1 = arith.constant 640 : i32
    %mul3A_2 = arith.muli %arg1, %mul3A_1 : i32
    %add3A_3 = arith.constant 0 : i32
    %add3A_4 = arith.addi %mul3A_2, %add3A_3 : i32
    "tpu.region"() ({
      %run_scoped3A = tpu.sem_alloc : memref<!tpu.dma_semaphore, #tpu.memory_space<semaphore_mem>>
      %dma_start3A = arith.constant 0 : i32
      %dma_start3A_29 = tpu.memref_slice %arg8[%add3A_4, %dma_start3A] : memref<10240x128xf32, #tpu.memory_space<vmem_shared>> -> memref<128x128xf32, #tpu.memory_space<vmem_shared>>
      tpu.enqueue_dma source(%arg4 : memref<128x128xf32, #tpu.memory_space<hbm>>) target(%dma_start3A_29 : memref<128x128xf32, #tpu.memory_space<vmem_shared>>) target_semaphore(%run_scoped3A : memref<!tpu.dma_semaphore, #tpu.memory_space<semaphore_mem>>)
      %dma_wait3A = arith.constant 0 : i32
      %dma_wait3A_30 = tpu.memref_slice %arg8[%add3A_4, %dma_wait3A] : memref<10240x128xf32, #tpu.memory_space<vmem_shared>> -> memref<128x128xf32, #tpu.memory_space<vmem_shared>>
      tpu.wait_dma2 semaphore(%run_scoped3A : memref<!tpu.dma_semaphore, #tpu.memory_space<semaphore_mem>>) src(%arg4 : memref<128x128xf32, #tpu.memory_space<hbm>>) dst(%dma_wait3A_30 : memref<128x128xf32, #tpu.memory_space<vmem_shared>>)
      tpu.yield
    }) : () -> ()
    %mul3A_5 = arith.constant 640 : i32
    %mul3A_6 = arith.muli %arg1, %mul3A_5 : i32
    %add3A_7 = arith.constant 128 : i32
    %add3A_8 = arith.addi %mul3A_6, %add3A_7 : i32
    "tpu.region"() ({
      %run_scoped3A = tpu.sem_alloc : memref<!tpu.dma_semaphore, #tpu.memory_space<semaphore_mem>>
      %dma_start3A = arith.constant 0 : i32
      %dma_start3A_29 = tpu.memref_slice %arg8[%add3A_8, %dma_start3A] : memref<10240x128xf32, #tpu.memory_space<vmem_shared>> -> memref<128x128xf32, #tpu.memory_space<vmem_shared>>
      tpu.enqueue_dma source(%arg4 : memref<128x128xf32, #tpu.memory_space<hbm>>) target(%dma_start3A_29 : memref<128x128xf32, #tpu.memory_space<vmem_shared>>) target_semaphore(%run_scoped3A : memref<!tpu.dma_semaphore, #tpu.memory_space<semaphore_mem>>)
      %dma_wait3A = arith.constant 0 : i32
      %dma_wait3A_30 = tpu.memref_slice %arg8[%add3A_8, %dma_wait3A] : memref<10240x128xf32, #tpu.memory_space<vmem_shared>> -> memref<128x128xf32, #tpu.memory_space<vmem_shared>>
      tpu.wait_dma2 semaphore(%run_scoped3A : memref<!tpu.dma_semaphore, #tpu.memory_space<semaphore_mem>>) src(%arg4 : memref<128x128xf32, #tpu.memory_space<hbm>>) dst(%dma_wait3A_30 : memref<128x128xf32, #tpu.memory_space<vmem_shared>>)
      tpu.yield
    }) : () -> ()
    %mul3A_9 = arith.constant 640 : i32
    %mul3A_10 = arith.muli %arg1, %mul3A_9 : i32
    %add3A_11 = arith.constant 256 : i32
    %add3A_12 = arith.addi %mul3A_10, %add3A_11 : i32
    "tpu.region"() ({
      %run_scoped3A = tpu.sem_alloc : memref<!tpu.dma_semaphore, #tpu.memory_space<semaphore_mem>>
      %dma_start3A = arith.constant 0 : i32
      %dma_start3A_29 = tpu.memref_slice %arg8[%add3A_12, %dma_start3A] : memref<10240x128xf32, #tpu.memory_space<vmem_shared>> -> memref<128x128xf32, #tpu.memory_space<vmem_shared>>
      tpu.enqueue_dma source(%arg4 : memref<128x128xf32, #tpu.memory_space<hbm>>) target(%dma_start3A_29 : memref<128x128xf32, #tpu.memory_space<vmem_shared>>) target_semaphore(%run_scoped3A : memref<!tpu.dma_semaphore, #tpu.memory_space<semaphore_mem>>)
      %dma_wait3A = arith.constant 0 : i32
      %dma_wait3A_30 = tpu.memref_slice %arg8[%add3A_12, %dma_wait3A] : memref<10240x128xf32, #tpu.memory_space<vmem_shared>> -> memref<128x128xf32, #tpu.memory_space<vmem_shared>>
      tpu.wait_dma2 semaphore(%run_scoped3A : memref<!tpu.dma_semaphore, #tpu.memory_space<semaphore_mem>>) src(%arg4 : memref<128x128xf32, #tpu.memory_space<hbm>>) dst(%dma_wait3A_30 : memref<128x128xf32, #tpu.memory_space<vmem_shared>>)
      tpu.yield
    }) : () -> ()
    %mul3A_13 = arith.constant 640 : i32
    %mul3A_14 = arith.muli %arg1, %mul3A_13 : i32
    %add3A_15 = arith.constant 384 : i32
    %add3A_16 = arith.addi %mul3A_14, %add3A_15 : i32
    "tpu.region"() ({
      %run_scoped3A = tpu.sem_alloc : memref<!tpu.dma_semaphore, #tpu.memory_space<semaphore_mem>>
      %dma_start3A = arith.constant 0 : i32
      %dma_start3A_29 = tpu.memref_slice %arg8[%add3A_16, %dma_start3A] : memref<10240x128xf32, #tpu.memory_space<vmem_shared>> -> memref<128x128xf32, #tpu.memory_space<vmem_shared>>
      tpu.enqueue_dma source(%arg4 : memref<128x128xf32, #tpu.memory_space<hbm>>) target(%dma_start3A_29 : memref<128x128xf32, #tpu.memory_space<vmem_shared>>) target_semaphore(%run_scoped3A : memref<!tpu.dma_semaphore, #tpu.memory_space<semaphore_mem>>)
      %dma_wait3A = arith.constant 0 : i32
      %dma_wait3A_30 = tpu.memref_slice %arg8[%add3A_16, %dma_wait3A] : memref<10240x128xf32, #tpu.memory_space<vmem_shared>> -> memref<128x128xf32, #tpu.memory_space<vmem_shared>>
      tpu.wait_dma2 semaphore(%run_scoped3A : memref<!tpu.dma_semaphore, #tpu.memory_space<semaphore_mem>>) src(%arg4 : memref<128x128xf32, #tpu.memory_space<hbm>>) dst(%dma_wait3A_30 : memref<128x128xf32, #tpu.memory_space<vmem_shared>>)
      tpu.yield
    }) : () -> ()
    %mul3A_17 = arith.constant 640 : i32
    %mul3A_18 = arith.muli %arg1, %mul3A_17 : i32
    %add3A_19 = arith.constant 512 : i32
    %add3A_20 = arith.addi %mul3A_18, %add3A_19 : i32
    "tpu.region"() ({
      %run_scoped3A = tpu.sem_alloc : memref<!tpu.dma_semaphore, #tpu.memory_space<semaphore_mem>>
      %dma_start3A = arith.constant 0 : i32
      %dma_start3A_29 = tpu.memref_slice %arg8[%add3A_20, %dma_start3A] : memref<10240x128xf32, #tpu.memory_space<vmem_shared>> -> memref<128x128xf32, #tpu.memory_space<vmem_shared>>
      tpu.enqueue_dma source(%arg4 : memref<128x128xf32, #tpu.memory_space<hbm>>) target(%dma_start3A_29 : memref<128x128xf32, #tpu.memory_space<vmem_shared>>) target_semaphore(%run_scoped3A : memref<!tpu.dma_semaphore, #tpu.memory_space<semaphore_mem>>)
      %dma_wait3A = arith.constant 0 : i32
      %dma_wait3A_30 = tpu.memref_slice %arg8[%add3A_20, %dma_wait3A] : memref<10240x128xf32, #tpu.memory_space<vmem_shared>> -> memref<128x128xf32, #tpu.memory_space<vmem_shared>>
      tpu.wait_dma2 semaphore(%run_scoped3A : memref<!tpu.dma_semaphore, #tpu.memory_space<semaphore_mem>>) src(%arg4 : memref<128x128xf32, #tpu.memory_space<hbm>>) dst(%dma_wait3A_30 : memref<128x128xf32, #tpu.memory_space<vmem_shared>>)
      tpu.yield
    }) : () -> ()
    %barrier3A = arith.constant 0 : index
    tpu.barrier barrier_id(%barrier3A)
    %scan3A = arith.constant 0 : i32
    %scan3A_21 = arith.constant 0 : i32
    %scan3A_22 = arith.constant 5 : i32
    %scan3A_23 = arith.addi %scan3A_21, %scan3A_22 : i32
    %scan3A_24 = arith.constant 1 : i32
    scf.for %scan3A_29 = %scan3A_21 to %scan3A_23 step %scan3A_24  : i32 {
      "tpu.region"() ({
        %run_scoped3A = tpu.sem_alloc : memref<!tpu.dma_semaphore, #tpu.memory_space<semaphore_mem>>
        %dma_start3A = arith.constant 0 : i32
        %dma_start3A_40 = arith.constant 0 : i32
        %dma_start3A_41 = tpu.memref_slice %arg2[%add3A, %scan3A_29, %dma_start3A, %dma_start3A_40] : memref<32x5x25x80xi32, #tpu.memory_space<hbm>> -> memref<1x1x25x80xi32, #tpu.memory_space<hbm>>
        %dma_start3A_42 = tpu.memref_squeeze %dma_start3A_41 : memref<1x1x25x80xi32, #tpu.memory_space<hbm>> -> memref<25x80xi32, #tpu.memory_space<hbm>>
        %dma_start3A_43 = arith.constant 0 : i32
        %dma_start3A_44 = arith.constant 0 : i32
        %dma_start3A_45 = tpu.memref_slice %arg2[%add3A, %scan3A_29, %dma_start3A_43, %dma_start3A_44] : memref<32x5x25x80xi32, #tpu.memory_space<hbm>> -> memref<1x1x25x80xi32, #tpu.memory_space<hbm>>
        %dma_start3A_46 = tpu.memref_squeeze %dma_start3A_45 : memref<1x1x25x80xi32, #tpu.memory_space<hbm>> -> memref<25x80xi32, #tpu.memory_space<hbm>>
        tpu.enqueue_dma source(%dma_start3A_46 : memref<25x80xi32, #tpu.memory_space<hbm>>) target(%arg7 : memref<25x80xi32, #tpu.memory_space<vmem>>) target_semaphore(%run_scoped3A : memref<!tpu.dma_semaphore, #tpu.memory_space<semaphore_mem>>)
        %dma_wait3A = arith.constant 0 : i32
        %dma_wait3A_47 = arith.constant 0 : i32
        %dma_wait3A_48 = tpu.memref_slice %arg2[%add3A, %scan3A_29, %dma_wait3A, %dma_wait3A_47] : memref<32x5x25x80xi32, #tpu.memory_space<hbm>> -> memref<1x1x25x80xi32, #tpu.memory_space<hbm>>
        %dma_wait3A_49 = tpu.memref_squeeze %dma_wait3A_48 : memref<1x1x25x80xi32, #tpu.memory_space<hbm>> -> memref<25x80xi32, #tpu.memory_space<hbm>>
        %dma_wait3A_50 = arith.constant 0 : i32
        %dma_wait3A_51 = arith.constant 0 : i32
        %dma_wait3A_52 = tpu.memref_slice %arg2[%add3A, %scan3A_29, %dma_wait3A_50, %dma_wait3A_51] : memref<32x5x25x80xi32, #tpu.memory_space<hbm>> -> memref<1x1x25x80xi32, #tpu.memory_space<hbm>>
        %dma_wait3A_53 = tpu.memref_squeeze %dma_wait3A_52 : memref<1x1x25x80xi32, #tpu.memory_space<hbm>> -> memref<25x80xi32, #tpu.memory_space<hbm>>
        tpu.wait_dma2 semaphore(%run_scoped3A : memref<!tpu.dma_semaphore, #tpu.memory_space<semaphore_mem>>) src(%dma_wait3A_53 : memref<25x80xi32, #tpu.memory_space<hbm>>) dst(%arg7 : memref<25x80xi32, #tpu.memory_space<vmem>>)
        tpu.yield
      }) : () -> ()
      %scan3A_30 = arith.constant 0 : i32
      %scan3A_31 = arith.constant 25 : i32
      %scan3A_32 = arith.addi %scan3A_30, %scan3A_31 : i32
      %scan3A_33 = arith.constant 1 : i32
      scf.for %scan3A_40 = %scan3A_30 to %scan3A_32 step %scan3A_33  : i32 {
        %dma_start3A = arith.constant 0 : i32
        %dma_start3A_41 = tpu.memref_slice %arg7[%scan3A_40, %dma_start3A] : memref<25x80xi32, #tpu.memory_space<vmem>> -> memref<1x80xi32, #tpu.memory_space<vmem>>
        %dma_start3A_42 = tpu.memref_squeeze %dma_start3A_41 : memref<1x80xi32, #tpu.memory_space<vmem>> -> memref<80xi32, #tpu.memory_space<vmem>>
        %dma_start3A_43 = arith.constant 0 : i32
        %dma_start3A_44 = arith.constant 0 : i32
        %dma_start3A_45 = tpu.memref_slice %arg8[%dma_start3A_43, %dma_start3A_44] : memref<10240x128xf32, #tpu.memory_space<vmem_shared>> -> memref<10240x128xf32, #tpu.memory_space<vmem_shared>>
        tpu.enqueue_indirect_dma source(%arg6 : memref<80x128xf32, #tpu.memory_space<vmem>>) target(%dma_start3A_45 : memref<10240x128xf32, #tpu.memory_space<vmem_shared>>) offsets(%dma_start3A_42 : memref<80xi32, #tpu.memory_space<vmem>>) semaphore(%arg9 : memref<!tpu.dma_semaphore, #tpu.memory_space<semaphore_mem>>) {add = true}
      }
      %scan3A_34 = arith.constant 25 : i32
      %scan3A_35 = arith.constant 0 : i32
      %scan3A_36 = arith.constant 25 : i32
      %scan3A_37 = arith.addi %scan3A_35, %scan3A_36 : i32
      %scan3A_38 = arith.constant 1 : i32
      scf.for %scan3A_40 = %scan3A_35 to %scan3A_37 step %scan3A_38  : i32 {
        %dma_wait3A = arith.constant 0 : i32
        %dma_wait3A_41 = tpu.memref_slice %arg7[%scan3A_40, %dma_wait3A] : memref<25x80xi32, #tpu.memory_space<vmem>> -> memref<1x80xi32, #tpu.memory_space<vmem>>
        %dma_wait3A_42 = tpu.memref_squeeze %dma_wait3A_41 : memref<1x80xi32, #tpu.memory_space<vmem>> -> memref<80xi32, #tpu.memory_space<vmem>>
        %dma_wait3A_43 = arith.constant 0 : i32
        %dma_wait3A_44 = arith.constant 0 : i32
        %dma_wait3A_45 = tpu.memref_slice %arg8[%dma_wait3A_43, %dma_wait3A_44] : memref<10240x128xf32, #tpu.memory_space<vmem_shared>> -> memref<10240x128xf32, #tpu.memory_space<vmem_shared>>
        tpu.wait_indirect_dma semaphore(%arg9 : memref<!tpu.dma_semaphore, #tpu.memory_space<semaphore_mem>>) src(%arg6 : memref<80x128xf32, #tpu.memory_space<vmem>>) dst(%dma_wait3A_45 : memref<10240x128xf32, #tpu.memory_space<vmem_shared>>)
      }
      %scan3A_39 = arith.constant 25 : i32
    }
    %scan3A_25 = arith.constant 5 : i32
    %barrier3A_26 = arith.constant 0 : index
    tpu.barrier barrier_id(%barrier3A_26)
    %mul3A_27 = arith.constant 640 : i32
    %mul3A_28 = arith.muli %arg1, %mul3A_27 : i32
    "tpu.region"() ({
      %run_scoped3A = tpu.sem_alloc : memref<!tpu.dma_semaphore, #tpu.memory_space<semaphore_mem>>
      %dma_start3A = arith.constant 0 : i32
      %dma_start3A_29 = tpu.memref_slice %arg5[%arg0, %mul3A_28, %dma_start3A] : memref<2x10240x128xf32, #tpu.memory_space<hbm>> -> memref<1x640x128xf32, #tpu.memory_space<hbm>>
      %dma_start3A_30 = tpu.memref_squeeze %dma_start3A_29 : memref<1x640x128xf32, #tpu.memory_space<hbm>> -> memref<640x128xf32, #tpu.memory_space<hbm>>
      %dma_start3A_31 = arith.constant 0 : i32
      %dma_start3A_32 = tpu.memref_slice %arg8[%mul3A_28, %dma_start3A_31] : memref<10240x128xf32, #tpu.memory_space<vmem_shared>> -> memref<640x128xf32, #tpu.memory_space<vmem_shared>>
      tpu.enqueue_dma source(%dma_start3A_32 : memref<640x128xf32, #tpu.memory_space<vmem_shared>>) target(%dma_start3A_30 : memref<640x128xf32, #tpu.memory_space<hbm>>) target_semaphore(%run_scoped3A : memref<!tpu.dma_semaphore, #tpu.memory_space<semaphore_mem>>)
      %dma_wait3A = arith.constant 0 : i32
      %dma_wait3A_33 = tpu.memref_slice %arg5[%arg0, %mul3A_28, %dma_wait3A] : memref<2x10240x128xf32, #tpu.memory_space<hbm>> -> memref<1x640x128xf32, #tpu.memory_space<hbm>>
      %dma_wait3A_34 = tpu.memref_squeeze %dma_wait3A_33 : memref<1x640x128xf32, #tpu.memory_space<hbm>> -> memref<640x128xf32, #tpu.memory_space<hbm>>
      %dma_wait3A_35 = arith.constant 0 : i32
      %dma_wait3A_36 = tpu.memref_slice %arg8[%mul3A_28, %dma_wait3A_35] : memref<10240x128xf32, #tpu.memory_space<vmem_shared>> -> memref<640x128xf32, #tpu.memory_space<vmem_shared>>
      tpu.wait_dma2 semaphore(%run_scoped3A : memref<!tpu.dma_semaphore, #tpu.memory_space<semaphore_mem>>) src(%dma_wait3A_36 : memref<640x128xf32, #tpu.memory_space<vmem_shared>>) dst(%dma_wait3A_34 : memref<640x128xf32, #tpu.memory_space<hbm>>)
      tpu.yield
    }) : () -> ()
    return
  }
}

#map = affine_map<(d0, d1) -> (0, 0, 0, 0)>
#map1 = affine_map<(d0, d1) -> (0, 0)>
module attributes {stable_mosaic.version = 14 : i64} {
  func.func @_agg_body(%arg0: i32, %arg1: i32, %arg2: memref<16x10x50x40xi32, #tpu.memory_space<hbm>>, %arg3: memref<16x10x50x40xi32, #tpu.memory_space<hbm>>, %arg4: memref<10000x128xf32, #tpu.memory_space<hbm>>, %arg5: memref<10000x128xf32, #tpu.memory_space<hbm>>, %arg6: memref<128x128xf32, #tpu.memory_space<hbm>>, %arg7: memref<10240x128xf32, #tpu.memory_space<hbm>>, %arg8: memref<10240x128xf32, #tpu.memory_space<hbm>>, %arg9: memref<50x40xi32, #tpu.memory_space<vmem>>, %arg10: memref<50x40xi32, #tpu.memory_space<vmem>>, %arg11: memref<40x128xf32, #tpu.memory_space<vmem>>, %arg12: memref<40x128xf32, #tpu.memory_space<vmem>>, %arg13: memref<40x128xf32, #tpu.memory_space<vmem>>, %arg14: memref<40x128xf32, #tpu.memory_space<vmem>>, %arg15: memref<40x128xf32, #tpu.memory_space<vmem>>, %arg16: memref<10240x128xf32, #tpu.memory_space<vmem_shared>>, %arg17: memref<!tpu.dma_semaphore, #tpu.memory_space<semaphore_mem>>, %arg18: memref<!tpu.dma_semaphore, #tpu.memory_space<semaphore_mem>>, %arg19: memref<!tpu.dma_semaphore, #tpu.memory_space<semaphore_mem>>, %arg20: memref<!tpu.dma_semaphore, #tpu.memory_space<semaphore_mem>>, %arg21: memref<!tpu.dma_semaphore, #tpu.memory_space<semaphore_mem>>, %arg22: memref<!tpu.dma_semaphore, #tpu.memory_space<semaphore_mem>>, %arg23: memref<!tpu.dma_semaphore, #tpu.memory_space<semaphore_mem>>, %arg24: memref<!tpu.dma_semaphore, #tpu.memory_space<semaphore_mem>>, %arg25: memref<!tpu.dma_semaphore, #tpu.memory_space<semaphore_mem>>, %arg26: memref<!tpu.dma_semaphore, #tpu.memory_space<semaphore_mem>>) attributes {dimension_semantics = [#tpu.dimension_semantics<core_parallel>, #tpu.dimension_semantics<subcore_parallel>], iteration_bounds = array<i64: 2, 16>, scalar_prefetch = 0 : i64, scratch_operands = 18 : i64, tpu.core_type = #tpu.core_type<sc_vector_subcore>, window_params = [{transform_indices = #map}, {transform_indices = #map}, {transform_indices = #map1}, {transform_indices = #map1}, {transform_indices = #map1}, {transform_indices = #map1}, {transform_indices = #map1}]} {
    %mul3A = arith.constant 640 : i32
    %mul3A_0 = arith.muli %arg1, %mul3A : i32
    %add3A = arith.constant 0 : i32
    %add3A_1 = arith.addi %mul3A_0, %add3A : i32
    "tpu.region"() ({
      %run_scoped3A = tpu.sem_alloc : memref<!tpu.dma_semaphore, #tpu.memory_space<semaphore_mem>>
      %dma_start3A = arith.constant 0 : i32
      %dma_start3A_33 = tpu.memref_slice %arg16[%add3A_1, %dma_start3A] : memref<10240x128xf32, #tpu.memory_space<vmem_shared>> -> memref<128x128xf32, #tpu.memory_space<vmem_shared>>
      tpu.enqueue_dma source(%arg6 : memref<128x128xf32, #tpu.memory_space<hbm>>) target(%dma_start3A_33 : memref<128x128xf32, #tpu.memory_space<vmem_shared>>) target_semaphore(%run_scoped3A : memref<!tpu.dma_semaphore, #tpu.memory_space<semaphore_mem>>)
      %dma_wait3A = arith.constant 0 : i32
      %dma_wait3A_34 = tpu.memref_slice %arg16[%add3A_1, %dma_wait3A] : memref<10240x128xf32, #tpu.memory_space<vmem_shared>> -> memref<128x128xf32, #tpu.memory_space<vmem_shared>>
      tpu.wait_dma2 semaphore(%run_scoped3A : memref<!tpu.dma_semaphore, #tpu.memory_space<semaphore_mem>>) src(%arg6 : memref<128x128xf32, #tpu.memory_space<hbm>>) dst(%dma_wait3A_34 : memref<128x128xf32, #tpu.memory_space<vmem_shared>>)
      tpu.yield
    }) : () -> ()
    %mul3A_2 = arith.constant 640 : i32
    %mul3A_3 = arith.muli %arg1, %mul3A_2 : i32
    %add3A_4 = arith.constant 128 : i32
    %add3A_5 = arith.addi %mul3A_3, %add3A_4 : i32
    "tpu.region"() ({
      %run_scoped3A = tpu.sem_alloc : memref<!tpu.dma_semaphore, #tpu.memory_space<semaphore_mem>>
      %dma_start3A = arith.constant 0 : i32
      %dma_start3A_33 = tpu.memref_slice %arg16[%add3A_5, %dma_start3A] : memref<10240x128xf32, #tpu.memory_space<vmem_shared>> -> memref<128x128xf32, #tpu.memory_space<vmem_shared>>
      tpu.enqueue_dma source(%arg6 : memref<128x128xf32, #tpu.memory_space<hbm>>) target(%dma_start3A_33 : memref<128x128xf32, #tpu.memory_space<vmem_shared>>) target_semaphore(%run_scoped3A : memref<!tpu.dma_semaphore, #tpu.memory_space<semaphore_mem>>)
      %dma_wait3A = arith.constant 0 : i32
      %dma_wait3A_34 = tpu.memref_slice %arg16[%add3A_5, %dma_wait3A] : memref<10240x128xf32, #tpu.memory_space<vmem_shared>> -> memref<128x128xf32, #tpu.memory_space<vmem_shared>>
      tpu.wait_dma2 semaphore(%run_scoped3A : memref<!tpu.dma_semaphore, #tpu.memory_space<semaphore_mem>>) src(%arg6 : memref<128x128xf32, #tpu.memory_space<hbm>>) dst(%dma_wait3A_34 : memref<128x128xf32, #tpu.memory_space<vmem_shared>>)
      tpu.yield
    }) : () -> ()
    %mul3A_6 = arith.constant 640 : i32
    %mul3A_7 = arith.muli %arg1, %mul3A_6 : i32
    %add3A_8 = arith.constant 256 : i32
    %add3A_9 = arith.addi %mul3A_7, %add3A_8 : i32
    "tpu.region"() ({
      %run_scoped3A = tpu.sem_alloc : memref<!tpu.dma_semaphore, #tpu.memory_space<semaphore_mem>>
      %dma_start3A = arith.constant 0 : i32
      %dma_start3A_33 = tpu.memref_slice %arg16[%add3A_9, %dma_start3A] : memref<10240x128xf32, #tpu.memory_space<vmem_shared>> -> memref<128x128xf32, #tpu.memory_space<vmem_shared>>
      tpu.enqueue_dma source(%arg6 : memref<128x128xf32, #tpu.memory_space<hbm>>) target(%dma_start3A_33 : memref<128x128xf32, #tpu.memory_space<vmem_shared>>) target_semaphore(%run_scoped3A : memref<!tpu.dma_semaphore, #tpu.memory_space<semaphore_mem>>)
      %dma_wait3A = arith.constant 0 : i32
      %dma_wait3A_34 = tpu.memref_slice %arg16[%add3A_9, %dma_wait3A] : memref<10240x128xf32, #tpu.memory_space<vmem_shared>> -> memref<128x128xf32, #tpu.memory_space<vmem_shared>>
      tpu.wait_dma2 semaphore(%run_scoped3A : memref<!tpu.dma_semaphore, #tpu.memory_space<semaphore_mem>>) src(%arg6 : memref<128x128xf32, #tpu.memory_space<hbm>>) dst(%dma_wait3A_34 : memref<128x128xf32, #tpu.memory_space<vmem_shared>>)
      tpu.yield
    }) : () -> ()
    %mul3A_10 = arith.constant 640 : i32
    %mul3A_11 = arith.muli %arg1, %mul3A_10 : i32
    %add3A_12 = arith.constant 384 : i32
    %add3A_13 = arith.addi %mul3A_11, %add3A_12 : i32
    "tpu.region"() ({
      %run_scoped3A = tpu.sem_alloc : memref<!tpu.dma_semaphore, #tpu.memory_space<semaphore_mem>>
      %dma_start3A = arith.constant 0 : i32
      %dma_start3A_33 = tpu.memref_slice %arg16[%add3A_13, %dma_start3A] : memref<10240x128xf32, #tpu.memory_space<vmem_shared>> -> memref<128x128xf32, #tpu.memory_space<vmem_shared>>
      tpu.enqueue_dma source(%arg6 : memref<128x128xf32, #tpu.memory_space<hbm>>) target(%dma_start3A_33 : memref<128x128xf32, #tpu.memory_space<vmem_shared>>) target_semaphore(%run_scoped3A : memref<!tpu.dma_semaphore, #tpu.memory_space<semaphore_mem>>)
      %dma_wait3A = arith.constant 0 : i32
      %dma_wait3A_34 = tpu.memref_slice %arg16[%add3A_13, %dma_wait3A] : memref<10240x128xf32, #tpu.memory_space<vmem_shared>> -> memref<128x128xf32, #tpu.memory_space<vmem_shared>>
      tpu.wait_dma2 semaphore(%run_scoped3A : memref<!tpu.dma_semaphore, #tpu.memory_space<semaphore_mem>>) src(%arg6 : memref<128x128xf32, #tpu.memory_space<hbm>>) dst(%dma_wait3A_34 : memref<128x128xf32, #tpu.memory_space<vmem_shared>>)
      tpu.yield
    }) : () -> ()
    %mul3A_14 = arith.constant 640 : i32
    %mul3A_15 = arith.muli %arg1, %mul3A_14 : i32
    %add3A_16 = arith.constant 512 : i32
    %add3A_17 = arith.addi %mul3A_15, %add3A_16 : i32
    "tpu.region"() ({
      %run_scoped3A = tpu.sem_alloc : memref<!tpu.dma_semaphore, #tpu.memory_space<semaphore_mem>>
      %dma_start3A = arith.constant 0 : i32
      %dma_start3A_33 = tpu.memref_slice %arg16[%add3A_17, %dma_start3A] : memref<10240x128xf32, #tpu.memory_space<vmem_shared>> -> memref<128x128xf32, #tpu.memory_space<vmem_shared>>
      tpu.enqueue_dma source(%arg6 : memref<128x128xf32, #tpu.memory_space<hbm>>) target(%dma_start3A_33 : memref<128x128xf32, #tpu.memory_space<vmem_shared>>) target_semaphore(%run_scoped3A : memref<!tpu.dma_semaphore, #tpu.memory_space<semaphore_mem>>)
      %dma_wait3A = arith.constant 0 : i32
      %dma_wait3A_34 = tpu.memref_slice %arg16[%add3A_17, %dma_wait3A] : memref<10240x128xf32, #tpu.memory_space<vmem_shared>> -> memref<128x128xf32, #tpu.memory_space<vmem_shared>>
      tpu.wait_dma2 semaphore(%run_scoped3A : memref<!tpu.dma_semaphore, #tpu.memory_space<semaphore_mem>>) src(%arg6 : memref<128x128xf32, #tpu.memory_space<hbm>>) dst(%dma_wait3A_34 : memref<128x128xf32, #tpu.memory_space<vmem_shared>>)
      tpu.yield
    }) : () -> ()
    %barrier3A = arith.constant 0 : index
    tpu.barrier barrier_id(%barrier3A)
    %scan3A = arith.constant 0 : i32
    %scan3A_18 = arith.constant 0 : i32
    %scan3A_19 = arith.constant 10 : i32
    %scan3A_20 = arith.addi %scan3A_18, %scan3A_19 : i32
    %scan3A_21 = arith.constant 1 : i32
    scf.for %scan3A_33 = %scan3A_18 to %scan3A_20 step %scan3A_21  : i32 {
      "tpu.region"() ({
        %run_scoped3A = tpu.sem_alloc : memref<!tpu.dma_semaphore, #tpu.memory_space<semaphore_mem>>
        %dma_start3A = arith.constant 0 : i32
        %dma_start3A_73 = arith.constant 0 : i32
        %dma_start3A_74 = tpu.memref_slice %arg2[%arg1, %scan3A_33, %dma_start3A, %dma_start3A_73] : memref<16x10x50x40xi32, #tpu.memory_space<hbm>> -> memref<1x1x50x40xi32, #tpu.memory_space<hbm>>
        %dma_start3A_75 = tpu.memref_squeeze %dma_start3A_74 : memref<1x1x50x40xi32, #tpu.memory_space<hbm>> -> memref<50x40xi32, #tpu.memory_space<hbm>>
        %dma_start3A_76 = arith.constant 0 : i32
        %dma_start3A_77 = arith.constant 0 : i32
        %dma_start3A_78 = tpu.memref_slice %arg2[%arg1, %scan3A_33, %dma_start3A_76, %dma_start3A_77] : memref<16x10x50x40xi32, #tpu.memory_space<hbm>> -> memref<1x1x50x40xi32, #tpu.memory_space<hbm>>
        %dma_start3A_79 = tpu.memref_squeeze %dma_start3A_78 : memref<1x1x50x40xi32, #tpu.memory_space<hbm>> -> memref<50x40xi32, #tpu.memory_space<hbm>>
        tpu.enqueue_dma source(%dma_start3A_79 : memref<50x40xi32, #tpu.memory_space<hbm>>) target(%arg9 : memref<50x40xi32, #tpu.memory_space<vmem>>) target_semaphore(%run_scoped3A : memref<!tpu.dma_semaphore, #tpu.memory_space<semaphore_mem>>)
        %dma_wait3A_80 = arith.constant 0 : i32
        %dma_wait3A_81 = arith.constant 0 : i32
        %dma_wait3A_82 = tpu.memref_slice %arg2[%arg1, %scan3A_33, %dma_wait3A_80, %dma_wait3A_81] : memref<16x10x50x40xi32, #tpu.memory_space<hbm>> -> memref<1x1x50x40xi32, #tpu.memory_space<hbm>>
        %dma_wait3A_83 = tpu.memref_squeeze %dma_wait3A_82 : memref<1x1x50x40xi32, #tpu.memory_space<hbm>> -> memref<50x40xi32, #tpu.memory_space<hbm>>
        %dma_wait3A_84 = arith.constant 0 : i32
        %dma_wait3A_85 = arith.constant 0 : i32
        %dma_wait3A_86 = tpu.memref_slice %arg2[%arg1, %scan3A_33, %dma_wait3A_84, %dma_wait3A_85] : memref<16x10x50x40xi32, #tpu.memory_space<hbm>> -> memref<1x1x50x40xi32, #tpu.memory_space<hbm>>
        %dma_wait3A_87 = tpu.memref_squeeze %dma_wait3A_86 : memref<1x1x50x40xi32, #tpu.memory_space<hbm>> -> memref<50x40xi32, #tpu.memory_space<hbm>>
        tpu.wait_dma2 semaphore(%run_scoped3A : memref<!tpu.dma_semaphore, #tpu.memory_space<semaphore_mem>>) src(%dma_wait3A_87 : memref<50x40xi32, #tpu.memory_space<hbm>>) dst(%arg9 : memref<50x40xi32, #tpu.memory_space<vmem>>)
        tpu.yield
      }) : () -> ()
      "tpu.region"() ({
        %run_scoped3A = tpu.sem_alloc : memref<!tpu.dma_semaphore, #tpu.memory_space<semaphore_mem>>
        %dma_start3A = arith.constant 0 : i32
        %dma_start3A_73 = arith.constant 0 : i32
        %dma_start3A_74 = tpu.memref_slice %arg3[%arg1, %scan3A_33, %dma_start3A, %dma_start3A_73] : memref<16x10x50x40xi32, #tpu.memory_space<hbm>> -> memref<1x1x50x40xi32, #tpu.memory_space<hbm>>
        %dma_start3A_75 = tpu.memref_squeeze %dma_start3A_74 : memref<1x1x50x40xi32, #tpu.memory_space<hbm>> -> memref<50x40xi32, #tpu.memory_space<hbm>>
        %dma_start3A_76 = arith.constant 0 : i32
        %dma_start3A_77 = arith.constant 0 : i32
        %dma_start3A_78 = tpu.memref_slice %arg3[%arg1, %scan3A_33, %dma_start3A_76, %dma_start3A_77] : memref<16x10x50x40xi32, #tpu.memory_space<hbm>> -> memref<1x1x50x40xi32, #tpu.memory_space<hbm>>
        %dma_start3A_79 = tpu.memref_squeeze %dma_start3A_78 : memref<1x1x50x40xi32, #tpu.memory_space<hbm>> -> memref<50x40xi32, #tpu.memory_space<hbm>>
        tpu.enqueue_dma source(%dma_start3A_79 : memref<50x40xi32, #tpu.memory_space<hbm>>) target(%arg10 : memref<50x40xi32, #tpu.memory_space<vmem>>) target_semaphore(%run_scoped3A : memref<!tpu.dma_semaphore, #tpu.memory_space<semaphore_mem>>)
        %dma_wait3A_80 = arith.constant 0 : i32
        %dma_wait3A_81 = arith.constant 0 : i32
        %dma_wait3A_82 = tpu.memref_slice %arg3[%arg1, %scan3A_33, %dma_wait3A_80, %dma_wait3A_81] : memref<16x10x50x40xi32, #tpu.memory_space<hbm>> -> memref<1x1x50x40xi32, #tpu.memory_space<hbm>>
        %dma_wait3A_83 = tpu.memref_squeeze %dma_wait3A_82 : memref<1x1x50x40xi32, #tpu.memory_space<hbm>> -> memref<50x40xi32, #tpu.memory_space<hbm>>
        %dma_wait3A_84 = arith.constant 0 : i32
        %dma_wait3A_85 = arith.constant 0 : i32
        %dma_wait3A_86 = tpu.memref_slice %arg3[%arg1, %scan3A_33, %dma_wait3A_84, %dma_wait3A_85] : memref<16x10x50x40xi32, #tpu.memory_space<hbm>> -> memref<1x1x50x40xi32, #tpu.memory_space<hbm>>
        %dma_wait3A_87 = tpu.memref_squeeze %dma_wait3A_86 : memref<1x1x50x40xi32, #tpu.memory_space<hbm>> -> memref<50x40xi32, #tpu.memory_space<hbm>>
        tpu.wait_dma2 semaphore(%run_scoped3A : memref<!tpu.dma_semaphore, #tpu.memory_space<semaphore_mem>>) src(%dma_wait3A_87 : memref<50x40xi32, #tpu.memory_space<hbm>>) dst(%arg10 : memref<50x40xi32, #tpu.memory_space<vmem>>)
        tpu.yield
      }) : () -> ()
      %scan3A_34 = arith.constant 0 : i32
      %scan3A_35 = arith.constant 10 : i32
      %scan3A_36 = arith.addi %scan3A_34, %scan3A_35 : i32
      %scan3A_37 = arith.constant 1 : i32
      scf.for %scan3A_73 = %scan3A_34 to %scan3A_36 step %scan3A_37  : i32 {
        %mul3A_74 = arith.constant 5 : i32
        %mul3A_75 = arith.muli %scan3A_73, %mul3A_74 : i32
        %add3A_76 = arith.constant 0 : i32
        %add3A_77 = arith.addi %mul3A_75, %add3A_76 : i32
        %gt3A = arith.constant 0 : i32
        %gt3A_78 = arith.cmpi sgt, %scan3A_73, %gt3A : i32
        %convert_element_type3A_79 = arith.extui %gt3A_78 : i1 to i32
        %cond3A_80 = arith.constant 0 : i32
        %cond3A_81 = arith.cmpi ne, %convert_element_type3A_79, %cond3A_80 : i32
        scf.if %cond3A_81 {
          %dma_wait3A_267 = arith.constant 0 : i32
          %dma_wait3A_268 = tpu.memref_slice %arg9[%add3A_77, %dma_wait3A_267] : memref<50x40xi32, #tpu.memory_space<vmem>> -> memref<1x40xi32, #tpu.memory_space<vmem>>
          %dma_wait3A_269 = tpu.memref_squeeze %dma_wait3A_268 : memref<1x40xi32, #tpu.memory_space<vmem>> -> memref<40xi32, #tpu.memory_space<vmem>>
          %dma_wait3A_270 = arith.constant 0 : i32
          %dma_wait3A_271 = arith.constant 0 : i32
          %dma_wait3A_272 = tpu.memref_slice %arg16[%dma_wait3A_270, %dma_wait3A_271] : memref<10240x128xf32, #tpu.memory_space<vmem_shared>> -> memref<10240x128xf32, #tpu.memory_space<vmem_shared>>
          tpu.wait_indirect_dma semaphore(%arg22 : memref<!tpu.dma_semaphore, #tpu.memory_space<semaphore_mem>>) src(%arg11 : memref<40x128xf32, #tpu.memory_space<vmem>>) dst(%dma_wait3A_272 : memref<10240x128xf32, #tpu.memory_space<vmem_shared>>)
        } else {
        }
        %eq3A_82 = arith.constant 0 : i32
        %eq3A_83 = arith.cmpi eq, %arg0, %eq3A_82 : i32
        %convert_element_type3A_84 = arith.extui %eq3A_83 : i1 to i32
        %cond3A_85 = arith.constant 0 : i32
        %cond3A_86 = arith.cmpi ne, %convert_element_type3A_84, %cond3A_85 : i32
        scf.if %cond3A_86 {
          %dma_start3A_267 = arith.constant 0 : i32
          %dma_start3A_268 = tpu.memref_slice %arg10[%add3A_77, %dma_start3A_267] : memref<50x40xi32, #tpu.memory_space<vmem>> -> memref<1x40xi32, #tpu.memory_space<vmem>>
          %dma_start3A_269 = tpu.memref_squeeze %dma_start3A_268 : memref<1x40xi32, #tpu.memory_space<vmem>> -> memref<40xi32, #tpu.memory_space<vmem>>
          %dma_start3A_270 = arith.constant 0 : i32
          %dma_start3A_271 = arith.constant 0 : i32
          %dma_start3A_272 = tpu.memref_slice %arg4[%dma_start3A_270, %dma_start3A_271] : memref<10000x128xf32, #tpu.memory_space<hbm>> -> memref<10000x128xf32, #tpu.memory_space<hbm>>
          tpu.enqueue_indirect_dma source(%dma_start3A_272 : memref<10000x128xf32, #tpu.memory_space<hbm>>) target(%arg11 : memref<40x128xf32, #tpu.memory_space<vmem>>) offsets(%dma_start3A_269 : memref<40xi32, #tpu.memory_space<vmem>>) semaphore(%arg17 : memref<!tpu.dma_semaphore, #tpu.memory_space<semaphore_mem>>)
        } else {
        }
        %eq3A_87 = arith.constant 1 : i32
        %eq3A_88 = arith.cmpi eq, %arg0, %eq3A_87 : i32
        %convert_element_type3A_89 = arith.extui %eq3A_88 : i1 to i32
        %cond3A_90 = arith.constant 0 : i32
        %cond3A_91 = arith.cmpi ne, %convert_element_type3A_89, %cond3A_90 : i32
        scf.if %cond3A_91 {
          %dma_start3A_267 = arith.constant 0 : i32
          %dma_start3A_268 = tpu.memref_slice %arg10[%add3A_77, %dma_start3A_267] : memref<50x40xi32, #tpu.memory_space<vmem>> -> memref<1x40xi32, #tpu.memory_space<vmem>>
          %dma_start3A_269 = tpu.memref_squeeze %dma_start3A_268 : memref<1x40xi32, #tpu.memory_space<vmem>> -> memref<40xi32, #tpu.memory_space<vmem>>
          %dma_start3A_270 = arith.constant 0 : i32
          %dma_start3A_271 = arith.constant 0 : i32
          %dma_start3A_272 = tpu.memref_slice %arg5[%dma_start3A_270, %dma_start3A_271] : memref<10000x128xf32, #tpu.memory_space<hbm>> -> memref<10000x128xf32, #tpu.memory_space<hbm>>
          tpu.enqueue_indirect_dma source(%dma_start3A_272 : memref<10000x128xf32, #tpu.memory_space<hbm>>) target(%arg11 : memref<40x128xf32, #tpu.memory_space<vmem>>) offsets(%dma_start3A_269 : memref<40xi32, #tpu.memory_space<vmem>>) semaphore(%arg17 : memref<!tpu.dma_semaphore, #tpu.memory_space<semaphore_mem>>)
        } else {
        }
        %mul3A_92 = arith.constant 5 : i32
        %mul3A_93 = arith.muli %scan3A_73, %mul3A_92 : i32
        %add3A_94 = arith.constant 1 : i32
        %add3A_95 = arith.addi %mul3A_93, %add3A_94 : i32
        %gt3A_96 = arith.constant 0 : i32
        %gt3A_97 = arith.cmpi sgt, %scan3A_73, %gt3A_96 : i32
        %convert_element_type3A_98 = arith.extui %gt3A_97 : i1 to i32
        %cond3A_99 = arith.constant 0 : i32
        %cond3A_100 = arith.cmpi ne, %convert_element_type3A_98, %cond3A_99 : i32
        scf.if %cond3A_100 {
          %dma_wait3A_267 = arith.constant 0 : i32
          %dma_wait3A_268 = tpu.memref_slice %arg9[%add3A_95, %dma_wait3A_267] : memref<50x40xi32, #tpu.memory_space<vmem>> -> memref<1x40xi32, #tpu.memory_space<vmem>>
          %dma_wait3A_269 = tpu.memref_squeeze %dma_wait3A_268 : memref<1x40xi32, #tpu.memory_space<vmem>> -> memref<40xi32, #tpu.memory_space<vmem>>
          %dma_wait3A_270 = arith.constant 0 : i32
          %dma_wait3A_271 = arith.constant 0 : i32
          %dma_wait3A_272 = tpu.memref_slice %arg16[%dma_wait3A_270, %dma_wait3A_271] : memref<10240x128xf32, #tpu.memory_space<vmem_shared>> -> memref<10240x128xf32, #tpu.memory_space<vmem_shared>>
          tpu.wait_indirect_dma semaphore(%arg23 : memref<!tpu.dma_semaphore, #tpu.memory_space<semaphore_mem>>) src(%arg12 : memref<40x128xf32, #tpu.memory_space<vmem>>) dst(%dma_wait3A_272 : memref<10240x128xf32, #tpu.memory_space<vmem_shared>>)
        } else {
        }
        %eq3A_101 = arith.constant 0 : i32
        %eq3A_102 = arith.cmpi eq, %arg0, %eq3A_101 : i32
        %convert_element_type3A_103 = arith.extui %eq3A_102 : i1 to i32
        %cond3A_104 = arith.constant 0 : i32
        %cond3A_105 = arith.cmpi ne, %convert_element_type3A_103, %cond3A_104 : i32
        scf.if %cond3A_105 {
          %dma_start3A_267 = arith.constant 0 : i32
          %dma_start3A_268 = tpu.memref_slice %arg10[%add3A_95, %dma_start3A_267] : memref<50x40xi32, #tpu.memory_space<vmem>> -> memref<1x40xi32, #tpu.memory_space<vmem>>
          %dma_start3A_269 = tpu.memref_squeeze %dma_start3A_268 : memref<1x40xi32, #tpu.memory_space<vmem>> -> memref<40xi32, #tpu.memory_space<vmem>>
          %dma_start3A_270 = arith.constant 0 : i32
          %dma_start3A_271 = arith.constant 0 : i32
          %dma_start3A_272 = tpu.memref_slice %arg4[%dma_start3A_270, %dma_start3A_271] : memref<10000x128xf32, #tpu.memory_space<hbm>> -> memref<10000x128xf32, #tpu.memory_space<hbm>>
          tpu.enqueue_indirect_dma source(%dma_start3A_272 : memref<10000x128xf32, #tpu.memory_space<hbm>>) target(%arg12 : memref<40x128xf32, #tpu.memory_space<vmem>>) offsets(%dma_start3A_269 : memref<40xi32, #tpu.memory_space<vmem>>) semaphore(%arg18 : memref<!tpu.dma_semaphore, #tpu.memory_space<semaphore_mem>>)
        } else {
        }
        %eq3A_106 = arith.constant 1 : i32
        %eq3A_107 = arith.cmpi eq, %arg0, %eq3A_106 : i32
        %convert_element_type3A_108 = arith.extui %eq3A_107 : i1 to i32
        %cond3A_109 = arith.constant 0 : i32
        %cond3A_110 = arith.cmpi ne, %convert_element_type3A_108, %cond3A_109 : i32
        scf.if %cond3A_110 {
          %dma_start3A_267 = arith.constant 0 : i32
          %dma_start3A_268 = tpu.memref_slice %arg10[%add3A_95, %dma_start3A_267] : memref<50x40xi32, #tpu.memory_space<vmem>> -> memref<1x40xi32, #tpu.memory_space<vmem>>
          %dma_start3A_269 = tpu.memref_squeeze %dma_start3A_268 : memref<1x40xi32, #tpu.memory_space<vmem>> -> memref<40xi32, #tpu.memory_space<vmem>>
          %dma_start3A_270 = arith.constant 0 : i32
          %dma_start3A_271 = arith.constant 0 : i32
          %dma_start3A_272 = tpu.memref_slice %arg5[%dma_start3A_270, %dma_start3A_271] : memref<10000x128xf32, #tpu.memory_space<hbm>> -> memref<10000x128xf32, #tpu.memory_space<hbm>>
          tpu.enqueue_indirect_dma source(%dma_start3A_272 : memref<10000x128xf32, #tpu.memory_space<hbm>>) target(%arg12 : memref<40x128xf32, #tpu.memory_space<vmem>>) offsets(%dma_start3A_269 : memref<40xi32, #tpu.memory_space<vmem>>) semaphore(%arg18 : memref<!tpu.dma_semaphore, #tpu.memory_space<semaphore_mem>>)
        } else {
        }
        %mul3A_111 = arith.constant 5 : i32
        %mul3A_112 = arith.muli %scan3A_73, %mul3A_111 : i32
        %add3A_113 = arith.constant 2 : i32
        %add3A_114 = arith.addi %mul3A_112, %add3A_113 : i32
        %gt3A_115 = arith.constant 0 : i32
        %gt3A_116 = arith.cmpi sgt, %scan3A_73, %gt3A_115 : i32
        %convert_element_type3A_117 = arith.extui %gt3A_116 : i1 to i32
        %cond3A_118 = arith.constant 0 : i32
        %cond3A_119 = arith.cmpi ne, %convert_element_type3A_117, %cond3A_118 : i32
        scf.if %cond3A_119 {
          %dma_wait3A_267 = arith.constant 0 : i32
          %dma_wait3A_268 = tpu.memref_slice %arg9[%add3A_114, %dma_wait3A_267] : memref<50x40xi32, #tpu.memory_space<vmem>> -> memref<1x40xi32, #tpu.memory_space<vmem>>
          %dma_wait3A_269 = tpu.memref_squeeze %dma_wait3A_268 : memref<1x40xi32, #tpu.memory_space<vmem>> -> memref<40xi32, #tpu.memory_space<vmem>>
          %dma_wait3A_270 = arith.constant 0 : i32
          %dma_wait3A_271 = arith.constant 0 : i32
          %dma_wait3A_272 = tpu.memref_slice %arg16[%dma_wait3A_270, %dma_wait3A_271] : memref<10240x128xf32, #tpu.memory_space<vmem_shared>> -> memref<10240x128xf32, #tpu.memory_space<vmem_shared>>
          tpu.wait_indirect_dma semaphore(%arg24 : memref<!tpu.dma_semaphore, #tpu.memory_space<semaphore_mem>>) src(%arg13 : memref<40x128xf32, #tpu.memory_space<vmem>>) dst(%dma_wait3A_272 : memref<10240x128xf32, #tpu.memory_space<vmem_shared>>)
        } else {
        }
        %eq3A_120 = arith.constant 0 : i32
        %eq3A_121 = arith.cmpi eq, %arg0, %eq3A_120 : i32
        %convert_element_type3A_122 = arith.extui %eq3A_121 : i1 to i32
        %cond3A_123 = arith.constant 0 : i32
        %cond3A_124 = arith.cmpi ne, %convert_element_type3A_122, %cond3A_123 : i32
        scf.if %cond3A_124 {
          %dma_start3A_267 = arith.constant 0 : i32
          %dma_start3A_268 = tpu.memref_slice %arg10[%add3A_114, %dma_start3A_267] : memref<50x40xi32, #tpu.memory_space<vmem>> -> memref<1x40xi32, #tpu.memory_space<vmem>>
          %dma_start3A_269 = tpu.memref_squeeze %dma_start3A_268 : memref<1x40xi32, #tpu.memory_space<vmem>> -> memref<40xi32, #tpu.memory_space<vmem>>
          %dma_start3A_270 = arith.constant 0 : i32
          %dma_start3A_271 = arith.constant 0 : i32
          %dma_start3A_272 = tpu.memref_slice %arg4[%dma_start3A_270, %dma_start3A_271] : memref<10000x128xf32, #tpu.memory_space<hbm>> -> memref<10000x128xf32, #tpu.memory_space<hbm>>
          tpu.enqueue_indirect_dma source(%dma_start3A_272 : memref<10000x128xf32, #tpu.memory_space<hbm>>) target(%arg13 : memref<40x128xf32, #tpu.memory_space<vmem>>) offsets(%dma_start3A_269 : memref<40xi32, #tpu.memory_space<vmem>>) semaphore(%arg19 : memref<!tpu.dma_semaphore, #tpu.memory_space<semaphore_mem>>)
        } else {
        }
        %eq3A_125 = arith.constant 1 : i32
        %eq3A_126 = arith.cmpi eq, %arg0, %eq3A_125 : i32
        %convert_element_type3A_127 = arith.extui %eq3A_126 : i1 to i32
        %cond3A_128 = arith.constant 0 : i32
        %cond3A_129 = arith.cmpi ne, %convert_element_type3A_127, %cond3A_128 : i32
        scf.if %cond3A_129 {
          %dma_start3A_267 = arith.constant 0 : i32
          %dma_start3A_268 = tpu.memref_slice %arg10[%add3A_114, %dma_start3A_267] : memref<50x40xi32, #tpu.memory_space<vmem>> -> memref<1x40xi32, #tpu.memory_space<vmem>>
          %dma_start3A_269 = tpu.memref_squeeze %dma_start3A_268 : memref<1x40xi32, #tpu.memory_space<vmem>> -> memref<40xi32, #tpu.memory_space<vmem>>
          %dma_start3A_270 = arith.constant 0 : i32
          %dma_start3A_271 = arith.constant 0 : i32
          %dma_start3A_272 = tpu.memref_slice %arg5[%dma_start3A_270, %dma_start3A_271] : memref<10000x128xf32, #tpu.memory_space<hbm>> -> memref<10000x128xf32, #tpu.memory_space<hbm>>
          tpu.enqueue_indirect_dma source(%dma_start3A_272 : memref<10000x128xf32, #tpu.memory_space<hbm>>) target(%arg13 : memref<40x128xf32, #tpu.memory_space<vmem>>) offsets(%dma_start3A_269 : memref<40xi32, #tpu.memory_space<vmem>>) semaphore(%arg19 : memref<!tpu.dma_semaphore, #tpu.memory_space<semaphore_mem>>)
        } else {
        }
        %mul3A_130 = arith.constant 5 : i32
        %mul3A_131 = arith.muli %scan3A_73, %mul3A_130 : i32
        %add3A_132 = arith.constant 3 : i32
        %add3A_133 = arith.addi %mul3A_131, %add3A_132 : i32
        %gt3A_134 = arith.constant 0 : i32
        %gt3A_135 = arith.cmpi sgt, %scan3A_73, %gt3A_134 : i32
        %convert_element_type3A_136 = arith.extui %gt3A_135 : i1 to i32
        %cond3A_137 = arith.constant 0 : i32
        %cond3A_138 = arith.cmpi ne, %convert_element_type3A_136, %cond3A_137 : i32
        scf.if %cond3A_138 {
          %dma_wait3A_267 = arith.constant 0 : i32
          %dma_wait3A_268 = tpu.memref_slice %arg9[%add3A_133, %dma_wait3A_267] : memref<50x40xi32, #tpu.memory_space<vmem>> -> memref<1x40xi32, #tpu.memory_space<vmem>>
          %dma_wait3A_269 = tpu.memref_squeeze %dma_wait3A_268 : memref<1x40xi32, #tpu.memory_space<vmem>> -> memref<40xi32, #tpu.memory_space<vmem>>
          %dma_wait3A_270 = arith.constant 0 : i32
          %dma_wait3A_271 = arith.constant 0 : i32
          %dma_wait3A_272 = tpu.memref_slice %arg16[%dma_wait3A_270, %dma_wait3A_271] : memref<10240x128xf32, #tpu.memory_space<vmem_shared>> -> memref<10240x128xf32, #tpu.memory_space<vmem_shared>>
          tpu.wait_indirect_dma semaphore(%arg25 : memref<!tpu.dma_semaphore, #tpu.memory_space<semaphore_mem>>) src(%arg14 : memref<40x128xf32, #tpu.memory_space<vmem>>) dst(%dma_wait3A_272 : memref<10240x128xf32, #tpu.memory_space<vmem_shared>>)
        } else {
        }
        %eq3A_139 = arith.constant 0 : i32
        %eq3A_140 = arith.cmpi eq, %arg0, %eq3A_139 : i32
        %convert_element_type3A_141 = arith.extui %eq3A_140 : i1 to i32
        %cond3A_142 = arith.constant 0 : i32
        %cond3A_143 = arith.cmpi ne, %convert_element_type3A_141, %cond3A_142 : i32
        scf.if %cond3A_143 {
          %dma_start3A_267 = arith.constant 0 : i32
          %dma_start3A_268 = tpu.memref_slice %arg10[%add3A_133, %dma_start3A_267] : memref<50x40xi32, #tpu.memory_space<vmem>> -> memref<1x40xi32, #tpu.memory_space<vmem>>
          %dma_start3A_269 = tpu.memref_squeeze %dma_start3A_268 : memref<1x40xi32, #tpu.memory_space<vmem>> -> memref<40xi32, #tpu.memory_space<vmem>>
          %dma_start3A_270 = arith.constant 0 : i32
          %dma_start3A_271 = arith.constant 0 : i32
          %dma_start3A_272 = tpu.memref_slice %arg4[%dma_start3A_270, %dma_start3A_271] : memref<10000x128xf32, #tpu.memory_space<hbm>> -> memref<10000x128xf32, #tpu.memory_space<hbm>>
          tpu.enqueue_indirect_dma source(%dma_start3A_272 : memref<10000x128xf32, #tpu.memory_space<hbm>>) target(%arg14 : memref<40x128xf32, #tpu.memory_space<vmem>>) offsets(%dma_start3A_269 : memref<40xi32, #tpu.memory_space<vmem>>) semaphore(%arg20 : memref<!tpu.dma_semaphore, #tpu.memory_space<semaphore_mem>>)
        } else {
        }
        %eq3A_144 = arith.constant 1 : i32
        %eq3A_145 = arith.cmpi eq, %arg0, %eq3A_144 : i32
        %convert_element_type3A_146 = arith.extui %eq3A_145 : i1 to i32
        %cond3A_147 = arith.constant 0 : i32
        %cond3A_148 = arith.cmpi ne, %convert_element_type3A_146, %cond3A_147 : i32
        scf.if %cond3A_148 {
          %dma_start3A_267 = arith.constant 0 : i32
          %dma_start3A_268 = tpu.memref_slice %arg10[%add3A_133, %dma_start3A_267] : memref<50x40xi32, #tpu.memory_space<vmem>> -> memref<1x40xi32, #tpu.memory_space<vmem>>
          %dma_start3A_269 = tpu.memref_squeeze %dma_start3A_268 : memref<1x40xi32, #tpu.memory_space<vmem>> -> memref<40xi32, #tpu.memory_space<vmem>>
          %dma_start3A_270 = arith.constant 0 : i32
          %dma_start3A_271 = arith.constant 0 : i32
          %dma_start3A_272 = tpu.memref_slice %arg5[%dma_start3A_270, %dma_start3A_271] : memref<10000x128xf32, #tpu.memory_space<hbm>> -> memref<10000x128xf32, #tpu.memory_space<hbm>>
          tpu.enqueue_indirect_dma source(%dma_start3A_272 : memref<10000x128xf32, #tpu.memory_space<hbm>>) target(%arg14 : memref<40x128xf32, #tpu.memory_space<vmem>>) offsets(%dma_start3A_269 : memref<40xi32, #tpu.memory_space<vmem>>) semaphore(%arg20 : memref<!tpu.dma_semaphore, #tpu.memory_space<semaphore_mem>>)
        } else {
        }
        %mul3A_149 = arith.constant 5 : i32
        %mul3A_150 = arith.muli %scan3A_73, %mul3A_149 : i32
        %add3A_151 = arith.constant 4 : i32
        %add3A_152 = arith.addi %mul3A_150, %add3A_151 : i32
        %gt3A_153 = arith.constant 0 : i32
        %gt3A_154 = arith.cmpi sgt, %scan3A_73, %gt3A_153 : i32
        %convert_element_type3A_155 = arith.extui %gt3A_154 : i1 to i32
        %cond3A_156 = arith.constant 0 : i32
        %cond3A_157 = arith.cmpi ne, %convert_element_type3A_155, %cond3A_156 : i32
        scf.if %cond3A_157 {
          %dma_wait3A_267 = arith.constant 0 : i32
          %dma_wait3A_268 = tpu.memref_slice %arg9[%add3A_152, %dma_wait3A_267] : memref<50x40xi32, #tpu.memory_space<vmem>> -> memref<1x40xi32, #tpu.memory_space<vmem>>
          %dma_wait3A_269 = tpu.memref_squeeze %dma_wait3A_268 : memref<1x40xi32, #tpu.memory_space<vmem>> -> memref<40xi32, #tpu.memory_space<vmem>>
          %dma_wait3A_270 = arith.constant 0 : i32
          %dma_wait3A_271 = arith.constant 0 : i32
          %dma_wait3A_272 = tpu.memref_slice %arg16[%dma_wait3A_270, %dma_wait3A_271] : memref<10240x128xf32, #tpu.memory_space<vmem_shared>> -> memref<10240x128xf32, #tpu.memory_space<vmem_shared>>
          tpu.wait_indirect_dma semaphore(%arg26 : memref<!tpu.dma_semaphore, #tpu.memory_space<semaphore_mem>>) src(%arg15 : memref<40x128xf32, #tpu.memory_space<vmem>>) dst(%dma_wait3A_272 : memref<10240x128xf32, #tpu.memory_space<vmem_shared>>)
        } else {
        }
        %eq3A_158 = arith.constant 0 : i32
        %eq3A_159 = arith.cmpi eq, %arg0, %eq3A_158 : i32
        %convert_element_type3A_160 = arith.extui %eq3A_159 : i1 to i32
        %cond3A_161 = arith.constant 0 : i32
        %cond3A_162 = arith.cmpi ne, %convert_element_type3A_160, %cond3A_161 : i32
        scf.if %cond3A_162 {
          %dma_start3A_267 = arith.constant 0 : i32
          %dma_start3A_268 = tpu.memref_slice %arg10[%add3A_152, %dma_start3A_267] : memref<50x40xi32, #tpu.memory_space<vmem>> -> memref<1x40xi32, #tpu.memory_space<vmem>>
          %dma_start3A_269 = tpu.memref_squeeze %dma_start3A_268 : memref<1x40xi32, #tpu.memory_space<vmem>> -> memref<40xi32, #tpu.memory_space<vmem>>
          %dma_start3A_270 = arith.constant 0 : i32
          %dma_start3A_271 = arith.constant 0 : i32
          %dma_start3A_272 = tpu.memref_slice %arg4[%dma_start3A_270, %dma_start3A_271] : memref<10000x128xf32, #tpu.memory_space<hbm>> -> memref<10000x128xf32, #tpu.memory_space<hbm>>
          tpu.enqueue_indirect_dma source(%dma_start3A_272 : memref<10000x128xf32, #tpu.memory_space<hbm>>) target(%arg15 : memref<40x128xf32, #tpu.memory_space<vmem>>) offsets(%dma_start3A_269 : memref<40xi32, #tpu.memory_space<vmem>>) semaphore(%arg21 : memref<!tpu.dma_semaphore, #tpu.memory_space<semaphore_mem>>)
        } else {
        }
        %eq3A_163 = arith.constant 1 : i32
        %eq3A_164 = arith.cmpi eq, %arg0, %eq3A_163 : i32
        %convert_element_type3A_165 = arith.extui %eq3A_164 : i1 to i32
        %cond3A_166 = arith.constant 0 : i32
        %cond3A_167 = arith.cmpi ne, %convert_element_type3A_165, %cond3A_166 : i32
        scf.if %cond3A_167 {
          %dma_start3A_267 = arith.constant 0 : i32
          %dma_start3A_268 = tpu.memref_slice %arg10[%add3A_152, %dma_start3A_267] : memref<50x40xi32, #tpu.memory_space<vmem>> -> memref<1x40xi32, #tpu.memory_space<vmem>>
          %dma_start3A_269 = tpu.memref_squeeze %dma_start3A_268 : memref<1x40xi32, #tpu.memory_space<vmem>> -> memref<40xi32, #tpu.memory_space<vmem>>
          %dma_start3A_270 = arith.constant 0 : i32
          %dma_start3A_271 = arith.constant 0 : i32
          %dma_start3A_272 = tpu.memref_slice %arg5[%dma_start3A_270, %dma_start3A_271] : memref<10000x128xf32, #tpu.memory_space<hbm>> -> memref<10000x128xf32, #tpu.memory_space<hbm>>
          tpu.enqueue_indirect_dma source(%dma_start3A_272 : memref<10000x128xf32, #tpu.memory_space<hbm>>) target(%arg15 : memref<40x128xf32, #tpu.memory_space<vmem>>) offsets(%dma_start3A_269 : memref<40xi32, #tpu.memory_space<vmem>>) semaphore(%arg21 : memref<!tpu.dma_semaphore, #tpu.memory_space<semaphore_mem>>)
        } else {
        }
        %mul3A_168 = arith.constant 5 : i32
        %mul3A_169 = arith.muli %scan3A_73, %mul3A_168 : i32
        %add3A_170 = arith.constant 0 : i32
        %add3A_171 = arith.addi %mul3A_169, %add3A_170 : i32
        %eq3A_172 = arith.constant 0 : i32
        %eq3A_173 = arith.cmpi eq, %arg0, %eq3A_172 : i32
        %convert_element_type3A_174 = arith.extui %eq3A_173 : i1 to i32
        %cond3A_175 = arith.constant 0 : i32
        %cond3A_176 = arith.cmpi ne, %convert_element_type3A_174, %cond3A_175 : i32
        scf.if %cond3A_176 {
          %dma_wait3A_267 = arith.constant 0 : i32
          %dma_wait3A_268 = tpu.memref_slice %arg10[%add3A_171, %dma_wait3A_267] : memref<50x40xi32, #tpu.memory_space<vmem>> -> memref<1x40xi32, #tpu.memory_space<vmem>>
          %dma_wait3A_269 = tpu.memref_squeeze %dma_wait3A_268 : memref<1x40xi32, #tpu.memory_space<vmem>> -> memref<40xi32, #tpu.memory_space<vmem>>
          %dma_wait3A_270 = arith.constant 0 : i32
          %dma_wait3A_271 = arith.constant 0 : i32
          %dma_wait3A_272 = tpu.memref_slice %arg4[%dma_wait3A_270, %dma_wait3A_271] : memref<10000x128xf32, #tpu.memory_space<hbm>> -> memref<10000x128xf32, #tpu.memory_space<hbm>>
          tpu.wait_indirect_dma semaphore(%arg17 : memref<!tpu.dma_semaphore, #tpu.memory_space<semaphore_mem>>) src(%dma_wait3A_272 : memref<10000x128xf32, #tpu.memory_space<hbm>>) dst(%arg11 : memref<40x128xf32, #tpu.memory_space<vmem>>)
        } else {
        }
        %eq3A_177 = arith.constant 1 : i32
        %eq3A_178 = arith.cmpi eq, %arg0, %eq3A_177 : i32
        %convert_element_type3A_179 = arith.extui %eq3A_178 : i1 to i32
        %cond3A_180 = arith.constant 0 : i32
        %cond3A_181 = arith.cmpi ne, %convert_element_type3A_179, %cond3A_180 : i32
        scf.if %cond3A_181 {
          %dma_wait3A_267 = arith.constant 0 : i32
          %dma_wait3A_268 = tpu.memref_slice %arg10[%add3A_171, %dma_wait3A_267] : memref<50x40xi32, #tpu.memory_space<vmem>> -> memref<1x40xi32, #tpu.memory_space<vmem>>
          %dma_wait3A_269 = tpu.memref_squeeze %dma_wait3A_268 : memref<1x40xi32, #tpu.memory_space<vmem>> -> memref<40xi32, #tpu.memory_space<vmem>>
          %dma_wait3A_270 = arith.constant 0 : i32
          %dma_wait3A_271 = arith.constant 0 : i32
          %dma_wait3A_272 = tpu.memref_slice %arg5[%dma_wait3A_270, %dma_wait3A_271] : memref<10000x128xf32, #tpu.memory_space<hbm>> -> memref<10000x128xf32, #tpu.memory_space<hbm>>
          tpu.wait_indirect_dma semaphore(%arg17 : memref<!tpu.dma_semaphore, #tpu.memory_space<semaphore_mem>>) src(%dma_wait3A_272 : memref<10000x128xf32, #tpu.memory_space<hbm>>) dst(%arg11 : memref<40x128xf32, #tpu.memory_space<vmem>>)
        } else {
        }
        %dma_start3A = arith.constant 0 : i32
        %dma_start3A_182 = tpu.memref_slice %arg9[%add3A_171, %dma_start3A] : memref<50x40xi32, #tpu.memory_space<vmem>> -> memref<1x40xi32, #tpu.memory_space<vmem>>
        %dma_start3A_183 = tpu.memref_squeeze %dma_start3A_182 : memref<1x40xi32, #tpu.memory_space<vmem>> -> memref<40xi32, #tpu.memory_space<vmem>>
        %dma_start3A_184 = arith.constant 0 : i32
        %dma_start3A_185 = arith.constant 0 : i32
        %dma_start3A_186 = tpu.memref_slice %arg16[%dma_start3A_184, %dma_start3A_185] : memref<10240x128xf32, #tpu.memory_space<vmem_shared>> -> memref<10240x128xf32, #tpu.memory_space<vmem_shared>>
        tpu.enqueue_indirect_dma source(%arg11 : memref<40x128xf32, #tpu.memory_space<vmem>>) target(%dma_start3A_186 : memref<10240x128xf32, #tpu.memory_space<vmem_shared>>) offsets(%dma_start3A_183 : memref<40xi32, #tpu.memory_space<vmem>>) semaphore(%arg22 : memref<!tpu.dma_semaphore, #tpu.memory_space<semaphore_mem>>) {add = true}
        %mul3A_187 = arith.constant 5 : i32
        %mul3A_188 = arith.muli %scan3A_73, %mul3A_187 : i32
        %add3A_189 = arith.constant 1 : i32
        %add3A_190 = arith.addi %mul3A_188, %add3A_189 : i32
        %eq3A_191 = arith.constant 0 : i32
        %eq3A_192 = arith.cmpi eq, %arg0, %eq3A_191 : i32
        %convert_element_type3A_193 = arith.extui %eq3A_192 : i1 to i32
        %cond3A_194 = arith.constant 0 : i32
        %cond3A_195 = arith.cmpi ne, %convert_element_type3A_193, %cond3A_194 : i32
        scf.if %cond3A_195 {
          %dma_wait3A_267 = arith.constant 0 : i32
          %dma_wait3A_268 = tpu.memref_slice %arg10[%add3A_190, %dma_wait3A_267] : memref<50x40xi32, #tpu.memory_space<vmem>> -> memref<1x40xi32, #tpu.memory_space<vmem>>
          %dma_wait3A_269 = tpu.memref_squeeze %dma_wait3A_268 : memref<1x40xi32, #tpu.memory_space<vmem>> -> memref<40xi32, #tpu.memory_space<vmem>>
          %dma_wait3A_270 = arith.constant 0 : i32
          %dma_wait3A_271 = arith.constant 0 : i32
          %dma_wait3A_272 = tpu.memref_slice %arg4[%dma_wait3A_270, %dma_wait3A_271] : memref<10000x128xf32, #tpu.memory_space<hbm>> -> memref<10000x128xf32, #tpu.memory_space<hbm>>
          tpu.wait_indirect_dma semaphore(%arg18 : memref<!tpu.dma_semaphore, #tpu.memory_space<semaphore_mem>>) src(%dma_wait3A_272 : memref<10000x128xf32, #tpu.memory_space<hbm>>) dst(%arg12 : memref<40x128xf32, #tpu.memory_space<vmem>>)
        } else {
        }
        %eq3A_196 = arith.constant 1 : i32
        %eq3A_197 = arith.cmpi eq, %arg0, %eq3A_196 : i32
        %convert_element_type3A_198 = arith.extui %eq3A_197 : i1 to i32
        %cond3A_199 = arith.constant 0 : i32
        %cond3A_200 = arith.cmpi ne, %convert_element_type3A_198, %cond3A_199 : i32
        scf.if %cond3A_200 {
          %dma_wait3A_267 = arith.constant 0 : i32
          %dma_wait3A_268 = tpu.memref_slice %arg10[%add3A_190, %dma_wait3A_267] : memref<50x40xi32, #tpu.memory_space<vmem>> -> memref<1x40xi32, #tpu.memory_space<vmem>>
          %dma_wait3A_269 = tpu.memref_squeeze %dma_wait3A_268 : memref<1x40xi32, #tpu.memory_space<vmem>> -> memref<40xi32, #tpu.memory_space<vmem>>
          %dma_wait3A_270 = arith.constant 0 : i32
          %dma_wait3A_271 = arith.constant 0 : i32
          %dma_wait3A_272 = tpu.memref_slice %arg5[%dma_wait3A_270, %dma_wait3A_271] : memref<10000x128xf32, #tpu.memory_space<hbm>> -> memref<10000x128xf32, #tpu.memory_space<hbm>>
          tpu.wait_indirect_dma semaphore(%arg18 : memref<!tpu.dma_semaphore, #tpu.memory_space<semaphore_mem>>) src(%dma_wait3A_272 : memref<10000x128xf32, #tpu.memory_space<hbm>>) dst(%arg12 : memref<40x128xf32, #tpu.memory_space<vmem>>)
        } else {
        }
        %dma_start3A_201 = arith.constant 0 : i32
        %dma_start3A_202 = tpu.memref_slice %arg9[%add3A_190, %dma_start3A_201] : memref<50x40xi32, #tpu.memory_space<vmem>> -> memref<1x40xi32, #tpu.memory_space<vmem>>
        %dma_start3A_203 = tpu.memref_squeeze %dma_start3A_202 : memref<1x40xi32, #tpu.memory_space<vmem>> -> memref<40xi32, #tpu.memory_space<vmem>>
        %dma_start3A_204 = arith.constant 0 : i32
        %dma_start3A_205 = arith.constant 0 : i32
        %dma_start3A_206 = tpu.memref_slice %arg16[%dma_start3A_204, %dma_start3A_205] : memref<10240x128xf32, #tpu.memory_space<vmem_shared>> -> memref<10240x128xf32, #tpu.memory_space<vmem_shared>>
        tpu.enqueue_indirect_dma source(%arg12 : memref<40x128xf32, #tpu.memory_space<vmem>>) target(%dma_start3A_206 : memref<10240x128xf32, #tpu.memory_space<vmem_shared>>) offsets(%dma_start3A_203 : memref<40xi32, #tpu.memory_space<vmem>>) semaphore(%arg23 : memref<!tpu.dma_semaphore, #tpu.memory_space<semaphore_mem>>) {add = true}
        %mul3A_207 = arith.constant 5 : i32
        %mul3A_208 = arith.muli %scan3A_73, %mul3A_207 : i32
        %add3A_209 = arith.constant 2 : i32
        %add3A_210 = arith.addi %mul3A_208, %add3A_209 : i32
        %eq3A_211 = arith.constant 0 : i32
        %eq3A_212 = arith.cmpi eq, %arg0, %eq3A_211 : i32
        %convert_element_type3A_213 = arith.extui %eq3A_212 : i1 to i32
        %cond3A_214 = arith.constant 0 : i32
        %cond3A_215 = arith.cmpi ne, %convert_element_type3A_213, %cond3A_214 : i32
        scf.if %cond3A_215 {
          %dma_wait3A_267 = arith.constant 0 : i32
          %dma_wait3A_268 = tpu.memref_slice %arg10[%add3A_210, %dma_wait3A_267] : memref<50x40xi32, #tpu.memory_space<vmem>> -> memref<1x40xi32, #tpu.memory_space<vmem>>
          %dma_wait3A_269 = tpu.memref_squeeze %dma_wait3A_268 : memref<1x40xi32, #tpu.memory_space<vmem>> -> memref<40xi32, #tpu.memory_space<vmem>>
          %dma_wait3A_270 = arith.constant 0 : i32
          %dma_wait3A_271 = arith.constant 0 : i32
          %dma_wait3A_272 = tpu.memref_slice %arg4[%dma_wait3A_270, %dma_wait3A_271] : memref<10000x128xf32, #tpu.memory_space<hbm>> -> memref<10000x128xf32, #tpu.memory_space<hbm>>
          tpu.wait_indirect_dma semaphore(%arg19 : memref<!tpu.dma_semaphore, #tpu.memory_space<semaphore_mem>>) src(%dma_wait3A_272 : memref<10000x128xf32, #tpu.memory_space<hbm>>) dst(%arg13 : memref<40x128xf32, #tpu.memory_space<vmem>>)
        } else {
        }
        %eq3A_216 = arith.constant 1 : i32
        %eq3A_217 = arith.cmpi eq, %arg0, %eq3A_216 : i32
        %convert_element_type3A_218 = arith.extui %eq3A_217 : i1 to i32
        %cond3A_219 = arith.constant 0 : i32
        %cond3A_220 = arith.cmpi ne, %convert_element_type3A_218, %cond3A_219 : i32
        scf.if %cond3A_220 {
          %dma_wait3A_267 = arith.constant 0 : i32
          %dma_wait3A_268 = tpu.memref_slice %arg10[%add3A_210, %dma_wait3A_267] : memref<50x40xi32, #tpu.memory_space<vmem>> -> memref<1x40xi32, #tpu.memory_space<vmem>>
          %dma_wait3A_269 = tpu.memref_squeeze %dma_wait3A_268 : memref<1x40xi32, #tpu.memory_space<vmem>> -> memref<40xi32, #tpu.memory_space<vmem>>
          %dma_wait3A_270 = arith.constant 0 : i32
          %dma_wait3A_271 = arith.constant 0 : i32
          %dma_wait3A_272 = tpu.memref_slice %arg5[%dma_wait3A_270, %dma_wait3A_271] : memref<10000x128xf32, #tpu.memory_space<hbm>> -> memref<10000x128xf32, #tpu.memory_space<hbm>>
          tpu.wait_indirect_dma semaphore(%arg19 : memref<!tpu.dma_semaphore, #tpu.memory_space<semaphore_mem>>) src(%dma_wait3A_272 : memref<10000x128xf32, #tpu.memory_space<hbm>>) dst(%arg13 : memref<40x128xf32, #tpu.memory_space<vmem>>)
        } else {
        }
        %dma_start3A_221 = arith.constant 0 : i32
        %dma_start3A_222 = tpu.memref_slice %arg9[%add3A_210, %dma_start3A_221] : memref<50x40xi32, #tpu.memory_space<vmem>> -> memref<1x40xi32, #tpu.memory_space<vmem>>
        %dma_start3A_223 = tpu.memref_squeeze %dma_start3A_222 : memref<1x40xi32, #tpu.memory_space<vmem>> -> memref<40xi32, #tpu.memory_space<vmem>>
        %dma_start3A_224 = arith.constant 0 : i32
        %dma_start3A_225 = arith.constant 0 : i32
        %dma_start3A_226 = tpu.memref_slice %arg16[%dma_start3A_224, %dma_start3A_225] : memref<10240x128xf32, #tpu.memory_space<vmem_shared>> -> memref<10240x128xf32, #tpu.memory_space<vmem_shared>>
        tpu.enqueue_indirect_dma source(%arg13 : memref<40x128xf32, #tpu.memory_space<vmem>>) target(%dma_start3A_226 : memref<10240x128xf32, #tpu.memory_space<vmem_shared>>) offsets(%dma_start3A_223 : memref<40xi32, #tpu.memory_space<vmem>>) semaphore(%arg24 : memref<!tpu.dma_semaphore, #tpu.memory_space<semaphore_mem>>) {add = true}
        %mul3A_227 = arith.constant 5 : i32
        %mul3A_228 = arith.muli %scan3A_73, %mul3A_227 : i32
        %add3A_229 = arith.constant 3 : i32
        %add3A_230 = arith.addi %mul3A_228, %add3A_229 : i32
        %eq3A_231 = arith.constant 0 : i32
        %eq3A_232 = arith.cmpi eq, %arg0, %eq3A_231 : i32
        %convert_element_type3A_233 = arith.extui %eq3A_232 : i1 to i32
        %cond3A_234 = arith.constant 0 : i32
        %cond3A_235 = arith.cmpi ne, %convert_element_type3A_233, %cond3A_234 : i32
        scf.if %cond3A_235 {
          %dma_wait3A_267 = arith.constant 0 : i32
          %dma_wait3A_268 = tpu.memref_slice %arg10[%add3A_230, %dma_wait3A_267] : memref<50x40xi32, #tpu.memory_space<vmem>> -> memref<1x40xi32, #tpu.memory_space<vmem>>
          %dma_wait3A_269 = tpu.memref_squeeze %dma_wait3A_268 : memref<1x40xi32, #tpu.memory_space<vmem>> -> memref<40xi32, #tpu.memory_space<vmem>>
          %dma_wait3A_270 = arith.constant 0 : i32
          %dma_wait3A_271 = arith.constant 0 : i32
          %dma_wait3A_272 = tpu.memref_slice %arg4[%dma_wait3A_270, %dma_wait3A_271] : memref<10000x128xf32, #tpu.memory_space<hbm>> -> memref<10000x128xf32, #tpu.memory_space<hbm>>
          tpu.wait_indirect_dma semaphore(%arg20 : memref<!tpu.dma_semaphore, #tpu.memory_space<semaphore_mem>>) src(%dma_wait3A_272 : memref<10000x128xf32, #tpu.memory_space<hbm>>) dst(%arg14 : memref<40x128xf32, #tpu.memory_space<vmem>>)
        } else {
        }
        %eq3A_236 = arith.constant 1 : i32
        %eq3A_237 = arith.cmpi eq, %arg0, %eq3A_236 : i32
        %convert_element_type3A_238 = arith.extui %eq3A_237 : i1 to i32
        %cond3A_239 = arith.constant 0 : i32
        %cond3A_240 = arith.cmpi ne, %convert_element_type3A_238, %cond3A_239 : i32
        scf.if %cond3A_240 {
          %dma_wait3A_267 = arith.constant 0 : i32
          %dma_wait3A_268 = tpu.memref_slice %arg10[%add3A_230, %dma_wait3A_267] : memref<50x40xi32, #tpu.memory_space<vmem>> -> memref<1x40xi32, #tpu.memory_space<vmem>>
          %dma_wait3A_269 = tpu.memref_squeeze %dma_wait3A_268 : memref<1x40xi32, #tpu.memory_space<vmem>> -> memref<40xi32, #tpu.memory_space<vmem>>
          %dma_wait3A_270 = arith.constant 0 : i32
          %dma_wait3A_271 = arith.constant 0 : i32
          %dma_wait3A_272 = tpu.memref_slice %arg5[%dma_wait3A_270, %dma_wait3A_271] : memref<10000x128xf32, #tpu.memory_space<hbm>> -> memref<10000x128xf32, #tpu.memory_space<hbm>>
          tpu.wait_indirect_dma semaphore(%arg20 : memref<!tpu.dma_semaphore, #tpu.memory_space<semaphore_mem>>) src(%dma_wait3A_272 : memref<10000x128xf32, #tpu.memory_space<hbm>>) dst(%arg14 : memref<40x128xf32, #tpu.memory_space<vmem>>)
        } else {
        }
        %dma_start3A_241 = arith.constant 0 : i32
        %dma_start3A_242 = tpu.memref_slice %arg9[%add3A_230, %dma_start3A_241] : memref<50x40xi32, #tpu.memory_space<vmem>> -> memref<1x40xi32, #tpu.memory_space<vmem>>
        %dma_start3A_243 = tpu.memref_squeeze %dma_start3A_242 : memref<1x40xi32, #tpu.memory_space<vmem>> -> memref<40xi32, #tpu.memory_space<vmem>>
        %dma_start3A_244 = arith.constant 0 : i32
        %dma_start3A_245 = arith.constant 0 : i32
        %dma_start3A_246 = tpu.memref_slice %arg16[%dma_start3A_244, %dma_start3A_245] : memref<10240x128xf32, #tpu.memory_space<vmem_shared>> -> memref<10240x128xf32, #tpu.memory_space<vmem_shared>>
        tpu.enqueue_indirect_dma source(%arg14 : memref<40x128xf32, #tpu.memory_space<vmem>>) target(%dma_start3A_246 : memref<10240x128xf32, #tpu.memory_space<vmem_shared>>) offsets(%dma_start3A_243 : memref<40xi32, #tpu.memory_space<vmem>>) semaphore(%arg25 : memref<!tpu.dma_semaphore, #tpu.memory_space<semaphore_mem>>) {add = true}
        %mul3A_247 = arith.constant 5 : i32
        %mul3A_248 = arith.muli %scan3A_73, %mul3A_247 : i32
        %add3A_249 = arith.constant 4 : i32
        %add3A_250 = arith.addi %mul3A_248, %add3A_249 : i32
        %eq3A_251 = arith.constant 0 : i32
        %eq3A_252 = arith.cmpi eq, %arg0, %eq3A_251 : i32
        %convert_element_type3A_253 = arith.extui %eq3A_252 : i1 to i32
        %cond3A_254 = arith.constant 0 : i32
        %cond3A_255 = arith.cmpi ne, %convert_element_type3A_253, %cond3A_254 : i32
        scf.if %cond3A_255 {
          %dma_wait3A_267 = arith.constant 0 : i32
          %dma_wait3A_268 = tpu.memref_slice %arg10[%add3A_250, %dma_wait3A_267] : memref<50x40xi32, #tpu.memory_space<vmem>> -> memref<1x40xi32, #tpu.memory_space<vmem>>
          %dma_wait3A_269 = tpu.memref_squeeze %dma_wait3A_268 : memref<1x40xi32, #tpu.memory_space<vmem>> -> memref<40xi32, #tpu.memory_space<vmem>>
          %dma_wait3A_270 = arith.constant 0 : i32
          %dma_wait3A_271 = arith.constant 0 : i32
          %dma_wait3A_272 = tpu.memref_slice %arg4[%dma_wait3A_270, %dma_wait3A_271] : memref<10000x128xf32, #tpu.memory_space<hbm>> -> memref<10000x128xf32, #tpu.memory_space<hbm>>
          tpu.wait_indirect_dma semaphore(%arg21 : memref<!tpu.dma_semaphore, #tpu.memory_space<semaphore_mem>>) src(%dma_wait3A_272 : memref<10000x128xf32, #tpu.memory_space<hbm>>) dst(%arg15 : memref<40x128xf32, #tpu.memory_space<vmem>>)
        } else {
        }
        %eq3A_256 = arith.constant 1 : i32
        %eq3A_257 = arith.cmpi eq, %arg0, %eq3A_256 : i32
        %convert_element_type3A_258 = arith.extui %eq3A_257 : i1 to i32
        %cond3A_259 = arith.constant 0 : i32
        %cond3A_260 = arith.cmpi ne, %convert_element_type3A_258, %cond3A_259 : i32
        scf.if %cond3A_260 {
          %dma_wait3A_267 = arith.constant 0 : i32
          %dma_wait3A_268 = tpu.memref_slice %arg10[%add3A_250, %dma_wait3A_267] : memref<50x40xi32, #tpu.memory_space<vmem>> -> memref<1x40xi32, #tpu.memory_space<vmem>>
          %dma_wait3A_269 = tpu.memref_squeeze %dma_wait3A_268 : memref<1x40xi32, #tpu.memory_space<vmem>> -> memref<40xi32, #tpu.memory_space<vmem>>
          %dma_wait3A_270 = arith.constant 0 : i32
          %dma_wait3A_271 = arith.constant 0 : i32
          %dma_wait3A_272 = tpu.memref_slice %arg5[%dma_wait3A_270, %dma_wait3A_271] : memref<10000x128xf32, #tpu.memory_space<hbm>> -> memref<10000x128xf32, #tpu.memory_space<hbm>>
          tpu.wait_indirect_dma semaphore(%arg21 : memref<!tpu.dma_semaphore, #tpu.memory_space<semaphore_mem>>) src(%dma_wait3A_272 : memref<10000x128xf32, #tpu.memory_space<hbm>>) dst(%arg15 : memref<40x128xf32, #tpu.memory_space<vmem>>)
        } else {
        }
        %dma_start3A_261 = arith.constant 0 : i32
        %dma_start3A_262 = tpu.memref_slice %arg9[%add3A_250, %dma_start3A_261] : memref<50x40xi32, #tpu.memory_space<vmem>> -> memref<1x40xi32, #tpu.memory_space<vmem>>
        %dma_start3A_263 = tpu.memref_squeeze %dma_start3A_262 : memref<1x40xi32, #tpu.memory_space<vmem>> -> memref<40xi32, #tpu.memory_space<vmem>>
        %dma_start3A_264 = arith.constant 0 : i32
        %dma_start3A_265 = arith.constant 0 : i32
        %dma_start3A_266 = tpu.memref_slice %arg16[%dma_start3A_264, %dma_start3A_265] : memref<10240x128xf32, #tpu.memory_space<vmem_shared>> -> memref<10240x128xf32, #tpu.memory_space<vmem_shared>>
        tpu.enqueue_indirect_dma source(%arg15 : memref<40x128xf32, #tpu.memory_space<vmem>>) target(%dma_start3A_266 : memref<10240x128xf32, #tpu.memory_space<vmem_shared>>) offsets(%dma_start3A_263 : memref<40xi32, #tpu.memory_space<vmem>>) semaphore(%arg26 : memref<!tpu.dma_semaphore, #tpu.memory_space<semaphore_mem>>) {add = true}
      }
      %scan3A_38 = arith.constant 10 : i32
      %dma_wait3A = arith.constant 45 : i32
      %dma_wait3A_39 = arith.constant 0 : i32
      %dma_wait3A_40 = tpu.memref_slice %arg9[%dma_wait3A, %dma_wait3A_39] : memref<50x40xi32, #tpu.memory_space<vmem>> -> memref<1x40xi32, #tpu.memory_space<vmem>>
      %dma_wait3A_41 = tpu.memref_squeeze %dma_wait3A_40 : memref<1x40xi32, #tpu.memory_space<vmem>> -> memref<40xi32, #tpu.memory_space<vmem>>
      %dma_wait3A_42 = arith.constant 0 : i32
      %dma_wait3A_43 = arith.constant 0 : i32
      %dma_wait3A_44 = tpu.memref_slice %arg16[%dma_wait3A_42, %dma_wait3A_43] : memref<10240x128xf32, #tpu.memory_space<vmem_shared>> -> memref<10240x128xf32, #tpu.memory_space<vmem_shared>>
      tpu.wait_indirect_dma semaphore(%arg22 : memref<!tpu.dma_semaphore, #tpu.memory_space<semaphore_mem>>) src(%arg11 : memref<40x128xf32, #tpu.memory_space<vmem>>) dst(%dma_wait3A_44 : memref<10240x128xf32, #tpu.memory_space<vmem_shared>>)
      %dma_wait3A_45 = arith.constant 46 : i32
      %dma_wait3A_46 = arith.constant 0 : i32
      %dma_wait3A_47 = tpu.memref_slice %arg9[%dma_wait3A_45, %dma_wait3A_46] : memref<50x40xi32, #tpu.memory_space<vmem>> -> memref<1x40xi32, #tpu.memory_space<vmem>>
      %dma_wait3A_48 = tpu.memref_squeeze %dma_wait3A_47 : memref<1x40xi32, #tpu.memory_space<vmem>> -> memref<40xi32, #tpu.memory_space<vmem>>
      %dma_wait3A_49 = arith.constant 0 : i32
      %dma_wait3A_50 = arith.constant 0 : i32
      %dma_wait3A_51 = tpu.memref_slice %arg16[%dma_wait3A_49, %dma_wait3A_50] : memref<10240x128xf32, #tpu.memory_space<vmem_shared>> -> memref<10240x128xf32, #tpu.memory_space<vmem_shared>>
      tpu.wait_indirect_dma semaphore(%arg23 : memref<!tpu.dma_semaphore, #tpu.memory_space<semaphore_mem>>) src(%arg12 : memref<40x128xf32, #tpu.memory_space<vmem>>) dst(%dma_wait3A_51 : memref<10240x128xf32, #tpu.memory_space<vmem_shared>>)
      %dma_wait3A_52 = arith.constant 47 : i32
      %dma_wait3A_53 = arith.constant 0 : i32
      %dma_wait3A_54 = tpu.memref_slice %arg9[%dma_wait3A_52, %dma_wait3A_53] : memref<50x40xi32, #tpu.memory_space<vmem>> -> memref<1x40xi32, #tpu.memory_space<vmem>>
      %dma_wait3A_55 = tpu.memref_squeeze %dma_wait3A_54 : memref<1x40xi32, #tpu.memory_space<vmem>> -> memref<40xi32, #tpu.memory_space<vmem>>
      %dma_wait3A_56 = arith.constant 0 : i32
      %dma_wait3A_57 = arith.constant 0 : i32
      %dma_wait3A_58 = tpu.memref_slice %arg16[%dma_wait3A_56, %dma_wait3A_57] : memref<10240x128xf32, #tpu.memory_space<vmem_shared>> -> memref<10240x128xf32, #tpu.memory_space<vmem_shared>>
      tpu.wait_indirect_dma semaphore(%arg24 : memref<!tpu.dma_semaphore, #tpu.memory_space<semaphore_mem>>) src(%arg13 : memref<40x128xf32, #tpu.memory_space<vmem>>) dst(%dma_wait3A_58 : memref<10240x128xf32, #tpu.memory_space<vmem_shared>>)
      %dma_wait3A_59 = arith.constant 48 : i32
      %dma_wait3A_60 = arith.constant 0 : i32
      %dma_wait3A_61 = tpu.memref_slice %arg9[%dma_wait3A_59, %dma_wait3A_60] : memref<50x40xi32, #tpu.memory_space<vmem>> -> memref<1x40xi32, #tpu.memory_space<vmem>>
      %dma_wait3A_62 = tpu.memref_squeeze %dma_wait3A_61 : memref<1x40xi32, #tpu.memory_space<vmem>> -> memref<40xi32, #tpu.memory_space<vmem>>
      %dma_wait3A_63 = arith.constant 0 : i32
      %dma_wait3A_64 = arith.constant 0 : i32
      %dma_wait3A_65 = tpu.memref_slice %arg16[%dma_wait3A_63, %dma_wait3A_64] : memref<10240x128xf32, #tpu.memory_space<vmem_shared>> -> memref<10240x128xf32, #tpu.memory_space<vmem_shared>>
      tpu.wait_indirect_dma semaphore(%arg25 : memref<!tpu.dma_semaphore, #tpu.memory_space<semaphore_mem>>) src(%arg14 : memref<40x128xf32, #tpu.memory_space<vmem>>) dst(%dma_wait3A_65 : memref<10240x128xf32, #tpu.memory_space<vmem_shared>>)
      %dma_wait3A_66 = arith.constant 49 : i32
      %dma_wait3A_67 = arith.constant 0 : i32
      %dma_wait3A_68 = tpu.memref_slice %arg9[%dma_wait3A_66, %dma_wait3A_67] : memref<50x40xi32, #tpu.memory_space<vmem>> -> memref<1x40xi32, #tpu.memory_space<vmem>>
      %dma_wait3A_69 = tpu.memref_squeeze %dma_wait3A_68 : memref<1x40xi32, #tpu.memory_space<vmem>> -> memref<40xi32, #tpu.memory_space<vmem>>
      %dma_wait3A_70 = arith.constant 0 : i32
      %dma_wait3A_71 = arith.constant 0 : i32
      %dma_wait3A_72 = tpu.memref_slice %arg16[%dma_wait3A_70, %dma_wait3A_71] : memref<10240x128xf32, #tpu.memory_space<vmem_shared>> -> memref<10240x128xf32, #tpu.memory_space<vmem_shared>>
      tpu.wait_indirect_dma semaphore(%arg26 : memref<!tpu.dma_semaphore, #tpu.memory_space<semaphore_mem>>) src(%arg15 : memref<40x128xf32, #tpu.memory_space<vmem>>) dst(%dma_wait3A_72 : memref<10240x128xf32, #tpu.memory_space<vmem_shared>>)
    }
    %scan3A_22 = arith.constant 10 : i32
    %barrier3A_23 = arith.constant 0 : index
    tpu.barrier barrier_id(%barrier3A_23)
    %mul3A_24 = arith.constant 640 : i32
    %mul3A_25 = arith.muli %arg1, %mul3A_24 : i32
    %eq3A = arith.constant 0 : i32
    %eq3A_26 = arith.cmpi eq, %arg0, %eq3A : i32
    %convert_element_type3A = arith.extui %eq3A_26 : i1 to i32
    %cond3A = arith.constant 0 : i32
    %cond3A_27 = arith.cmpi ne, %convert_element_type3A, %cond3A : i32
    scf.if %cond3A_27 {
      "tpu.region"() ({
        %run_scoped3A = tpu.sem_alloc : memref<!tpu.dma_semaphore, #tpu.memory_space<semaphore_mem>>
        %dma_start3A = arith.constant 0 : i32
        %dma_start3A_33 = tpu.memref_slice %arg7[%mul3A_25, %dma_start3A] : memref<10240x128xf32, #tpu.memory_space<hbm>> -> memref<640x128xf32, #tpu.memory_space<hbm>>
        %dma_start3A_34 = arith.constant 0 : i32
        %dma_start3A_35 = tpu.memref_slice %arg16[%mul3A_25, %dma_start3A_34] : memref<10240x128xf32, #tpu.memory_space<vmem_shared>> -> memref<640x128xf32, #tpu.memory_space<vmem_shared>>
        tpu.enqueue_dma source(%dma_start3A_35 : memref<640x128xf32, #tpu.memory_space<vmem_shared>>) target(%dma_start3A_33 : memref<640x128xf32, #tpu.memory_space<hbm>>) target_semaphore(%run_scoped3A : memref<!tpu.dma_semaphore, #tpu.memory_space<semaphore_mem>>)
        %dma_wait3A = arith.constant 0 : i32
        %dma_wait3A_36 = tpu.memref_slice %arg7[%mul3A_25, %dma_wait3A] : memref<10240x128xf32, #tpu.memory_space<hbm>> -> memref<640x128xf32, #tpu.memory_space<hbm>>
        %dma_wait3A_37 = arith.constant 0 : i32
        %dma_wait3A_38 = tpu.memref_slice %arg16[%mul3A_25, %dma_wait3A_37] : memref<10240x128xf32, #tpu.memory_space<vmem_shared>> -> memref<640x128xf32, #tpu.memory_space<vmem_shared>>
        tpu.wait_dma2 semaphore(%run_scoped3A : memref<!tpu.dma_semaphore, #tpu.memory_space<semaphore_mem>>) src(%dma_wait3A_38 : memref<640x128xf32, #tpu.memory_space<vmem_shared>>) dst(%dma_wait3A_36 : memref<640x128xf32, #tpu.memory_space<hbm>>)
        tpu.yield
      }) : () -> ()
    } else {
    }
    %eq3A_28 = arith.constant 1 : i32
    %eq3A_29 = arith.cmpi eq, %arg0, %eq3A_28 : i32
    %convert_element_type3A_30 = arith.extui %eq3A_29 : i1 to i32
    %cond3A_31 = arith.constant 0 : i32
    %cond3A_32 = arith.cmpi ne, %convert_element_type3A_30, %cond3A_31 : i32
    scf.if %cond3A_32 {
      "tpu.region"() ({
        %run_scoped3A = tpu.sem_alloc : memref<!tpu.dma_semaphore, #tpu.memory_space<semaphore_mem>>
        %dma_start3A = arith.constant 0 : i32
        %dma_start3A_33 = tpu.memref_slice %arg8[%mul3A_25, %dma_start3A] : memref<10240x128xf32, #tpu.memory_space<hbm>> -> memref<640x128xf32, #tpu.memory_space<hbm>>
        %dma_start3A_34 = arith.constant 0 : i32
        %dma_start3A_35 = tpu.memref_slice %arg16[%mul3A_25, %dma_start3A_34] : memref<10240x128xf32, #tpu.memory_space<vmem_shared>> -> memref<640x128xf32, #tpu.memory_space<vmem_shared>>
        tpu.enqueue_dma source(%dma_start3A_35 : memref<640x128xf32, #tpu.memory_space<vmem_shared>>) target(%dma_start3A_33 : memref<640x128xf32, #tpu.memory_space<hbm>>) target_semaphore(%run_scoped3A : memref<!tpu.dma_semaphore, #tpu.memory_space<semaphore_mem>>)
        %dma_wait3A = arith.constant 0 : i32
        %dma_wait3A_36 = tpu.memref_slice %arg8[%mul3A_25, %dma_wait3A] : memref<10240x128xf32, #tpu.memory_space<hbm>> -> memref<640x128xf32, #tpu.memory_space<hbm>>
        %dma_wait3A_37 = arith.constant 0 : i32
        %dma_wait3A_38 = tpu.memref_slice %arg16[%mul3A_25, %dma_wait3A_37] : memref<10240x128xf32, #tpu.memory_space<vmem_shared>> -> memref<640x128xf32, #tpu.memory_space<vmem_shared>>
        tpu.wait_dma2 semaphore(%run_scoped3A : memref<!tpu.dma_semaphore, #tpu.memory_space<semaphore_mem>>) src(%dma_wait3A_38 : memref<640x128xf32, #tpu.memory_space<vmem_shared>>) dst(%dma_wait3A_36 : memref<640x128xf32, #tpu.memory_space<hbm>>)
        tpu.yield
      }) : () -> ()
    } else {
    }
    return
  }
}

module attributes {stable_mosaic.version = 14 : i64} {
  func.func @_mx_body(%arg0: memref<10000x128xf32, #tpu.memory_space<vmem>>, %arg1: memref<1x1xf32, #tpu.memory_space<smem>>) attributes {dimension_semantics = [], scalar_prefetch = 0 : i64, scratch_operands = 0 : i64, tpu.core_type = #tpu.core_type<tc>} {
    %get3A = arith.constant 0 : index
    %get3A_0 = arith.constant 0 : index
    %get3A_1 = vector.load %arg0[%get3A, %get3A_0] : memref<10000x128xf32, #tpu.memory_space<vmem>>, vector<10000x128xf32>
    %reduce_max3A = vector.shape_cast %get3A_1 : vector<10000x128xf32> to vector<1x10000x128xf32>
    %reduce_max3A_2 = arith.constant dense<0xFF800000> : vector<1xf32>
    %reduce_max3A_3 = vector.multi_reduction <maximumf>, %reduce_max3A, %reduce_max3A_2 [1, 2] : vector<1x10000x128xf32> to vector<1xf32>
    %reduce_max3A_4 = vector.shape_cast %reduce_max3A_3 : vector<1xf32> to vector<1x1x1xf32>
    %reduce_max3A_5 = vector.extract %reduce_max3A_4[0, 0, 0] : f32 from vector<1x1x1xf32>
    %swap3A = arith.constant 0 : index
    %swap3A_6 = arith.constant 0 : index
    %swap3A_7 = memref.load %arg1[%swap3A, %swap3A_6] : memref<1x1xf32, #tpu.memory_space<smem>>
    memref.store %reduce_max3A_5, %arg1[%swap3A, %swap3A_6] : memref<1x1xf32, #tpu.memory_space<smem>>
    return
  }
}

module attributes {stable_mosaic.version = 14 : i64} {
  func.func @_tab_body(%arg0: i32, %arg1: memref<1x1xf32, #tpu.memory_space<smem>>, %arg2: memref<1x1xf32, #tpu.memory_space<smem>>, %arg3: memref<1000x128xf32, #tpu.memory_space<vmem>>, %arg4: memref<2x1000x128xf32, #tpu.memory_space<vmem>>, %arg5: memref<1000x128xf32, #tpu.memory_space<vmem>>, %arg6: memref<1000x128xf32, #tpu.memory_space<vmem>>) attributes {dimension_semantics = [#tpu.dimension_semantics<arbitrary>], iteration_bounds = array<i64: 10>, scalar_prefetch = 0 : i64, scratch_operands = 0 : i64, tpu.core_type = #tpu.core_type<tc>, window_params = [{transform_indices = @transform_0, window_bounds = array<i64: 1, 1>}, {transform_indices = @transform_1, window_bounds = array<i64: 1, 1>}, {transform_indices = @transform_2, window_bounds = array<i64: 1000, 128>}, {transform_indices = @transform_3, window_bounds = array<i64: 2, 1000, 128>}, {transform_indices = @transform_4, window_bounds = array<i64: 1000, 128>}, {transform_indices = @transform_5, window_bounds = array<i64: 1000, 128>}]} {
    %get3A = arith.constant 0 : index
    %get3A_0 = arith.constant 0 : index
    %get3A_1 = memref.load %arg2[%get3A, %get3A_0] : memref<1x1xf32, #tpu.memory_space<smem>>
    %logistic3A = arith.negf %get3A_1 : f32
    %logistic3A_2 = math.exp %logistic3A : f32
    %logistic3A_3 = arith.constant 1.000000e+00 : f32
    %logistic3A_4 = arith.addf %logistic3A_3, %logistic3A_2 : f32
    %logistic3A_5 = arith.divf %logistic3A_3, %logistic3A_4 : f32
    %mul3A = arith.constant 2.000000e+00 : f32
    %mul3A_6 = arith.mulf %logistic3A_5, %mul3A : f32
    %get3A_7 = arith.constant 0 : index
    %get3A_8 = arith.constant 0 : index
    %get3A_9 = memref.load %arg1[%get3A_7, %get3A_8] : memref<1x1xf32, #tpu.memory_space<smem>>
    %mul3A_10 = arith.mulf %mul3A_6, %get3A_9 : f32
    %get3A_11 = arith.constant 0 : index
    %get3A_12 = arith.constant 0 : index
    %get3A_13 = arith.constant 0 : index
    %get3A_14 = vector.load %arg4[%get3A_11, %get3A_12, %get3A_13] : memref<2x1000x128xf32, #tpu.memory_space<vmem>>, vector<2x1000x128xf32>
    %slice3A = vector.extract_strided_slice %get3A_14 {offsets = [0, 0, 0], sizes = [1, 1000, 1], strides = [1, 1, 1]} : vector<2x1000x128xf32> to vector<1x1000x1xf32>
    %squeeze3A = vector.shape_cast %slice3A : vector<1x1000x1xf32> to vector<1000xf32>
    %slice3A_15 = vector.extract_strided_slice %get3A_14 {offsets = [1, 0, 0], sizes = [1, 1000, 1], strides = [1, 1, 1]} : vector<2x1000x128xf32> to vector<1x1000x1xf32>
    %squeeze3A_16 = vector.shape_cast %slice3A_15 : vector<1x1000x1xf32> to vector<1000xf32>
    %add3A = arith.addf %squeeze3A, %squeeze3A_16 : vector<1000xf32>
    %gt3A = arith.constant 0.000000e+00 : f32
    %gt3A_17 = vector.broadcast %gt3A : f32 to vector<1000xf32>
    %gt3A_18 = arith.cmpf ogt, %add3A, %gt3A_17 : vector<1000xf32>
    %rsqrt3A = math.rsqrt %add3A : vector<1000xf32>
    %jit3A = arith.constant 0.000000e+00 : f32
    %broadcast_in_dim3A = vector.broadcast %jit3A : f32 to vector<1000xf32>
    %select_n3A = arith.select %gt3A_18, %rsqrt3A, %broadcast_in_dim3A : vector<1000xi1>, vector<1000xf32>
    %get3A_19 = arith.constant 0 : index
    %get3A_20 = arith.constant 0 : index
    %get3A_21 = vector.load %arg3[%get3A_19, %get3A_20] : memref<1000x128xf32, #tpu.memory_space<vmem>>, vector<1000x128xf32>
    %mul3A_22 = vector.broadcast %mul3A_6 : f32 to vector<1000x128xf32>
    %mul3A_23 = arith.mulf %mul3A_22, %get3A_21 : vector<1000x128xf32>
    %sub3A = vector.broadcast %mul3A_10 : f32 to vector<1000x128xf32>
    %sub3A_24 = arith.subf %mul3A_23, %sub3A : vector<1000x128xf32>
    %exp3A = math.exp %sub3A_24 : vector<1000x128xf32>
    %broadcast_in_dim3A_25 = vector.shape_cast %select_n3A : vector<1000xf32> to vector<1000x1xf32>
    %mul3A_26 = vector.broadcast %broadcast_in_dim3A_25 : vector<1000x1xf32> to vector<1000x128xf32>
    %mul3A_27 = arith.mulf %exp3A, %mul3A_26 : vector<1000x128xf32>
    %swap3A = arith.constant 0 : index
    %swap3A_28 = arith.constant 0 : index
    %swap3A_29 = vector.load %arg5[%swap3A, %swap3A_28] : memref<1000x128xf32, #tpu.memory_space<vmem>>, vector<1000x128xf32>
    tpu.vector_store %arg5[%swap3A, %swap3A_28], %mul3A_27 {strides = array<i32>} : memref<1000x128xf32, #tpu.memory_space<vmem>>, vector<1000x128xf32>,
    %mul3A_30 = arith.mulf %mul3A_27, %get3A_21 : vector<1000x128xf32>
    %swap3A_31 = arith.constant 0 : index
    %swap3A_32 = arith.constant 0 : index
    %swap3A_33 = vector.load %arg6[%swap3A_31, %swap3A_32] : memref<1000x128xf32, #tpu.memory_space<vmem>>, vector<1000x128xf32>
    tpu.vector_store %arg6[%swap3A_31, %swap3A_32], %mul3A_30 {strides = array<i32>} : memref<1000x128xf32, #tpu.memory_space<vmem>>, vector<1000x128xf32>,
    return
  }
  func.func @transform_0(%arg0: i32) -> (i32, i32) {
    %c0_i32 = arith.constant 0 : i32
    %c0_i32_0 = arith.constant 0 : i32
    %c0_i32_1 = arith.constant 0 : i32
    return %c0_i32, %c0_i32_0 : i32, i32
  }
  func.func @transform_1(%arg0: i32) -> (i32, i32) {
    %c0_i32 = arith.constant 0 : i32
    %c0_i32_0 = arith.constant 0 : i32
    %c0_i32_1 = arith.constant 0 : i32
    return %c0_i32, %c0_i32_0 : i32, i32
  }
  func.func @transform_2(%arg0: i32) -> (i32, i32) {
    %c0_i32 = arith.constant 0 : i32
    %c0_i32_0 = arith.constant 0 : i32
    return %arg0, %c0_i32 : i32, i32
  }
  func.func @transform_3(%arg0: i32) -> (i32, i32, i32) {
    %c0_i32 = arith.constant 0 : i32
    %c0_i32_0 = arith.constant 0 : i32
    %c0_i32_1 = arith.constant 0 : i32
    return %c0_i32, %arg0, %c0_i32_0 : i32, i32, i32
  }
  func.func @transform_4(%arg0: i32) -> (i32, i32) {
    %c0_i32 = arith.constant 0 : i32
    %c0_i32_0 = arith.constant 0 : i32
    return %arg0, %c0_i32 : i32, i32
  }
  func.func @transform_5(%arg0: i32) -> (i32, i32) {
    %c0_i32 = arith.constant 0 : i32
    %c0_i32_0 = arith.constant 0 : i32
    return %arg0, %c0_i32 : i32, i32
  }
}

module attributes {stable_mosaic.version = 14 : i64} {
  func.func @_out_body(%arg0: i32, %arg1: memref<1x1xf32, #tpu.memory_space<smem>>, %arg2: memref<1000x128xf32, #tpu.memory_space<vmem>>, %arg3: memref<1000x128xf32, #tpu.memory_space<vmem>>, %arg4: memref<1000x128xf32, #tpu.memory_space<vmem>>, %arg5: memref<2x1000x128xf32, #tpu.memory_space<vmem>>, %arg6: memref<1000x128xf32, #tpu.memory_space<vmem>>) attributes {dimension_semantics = [#tpu.dimension_semantics<arbitrary>], iteration_bounds = array<i64: 10>, scalar_prefetch = 0 : i64, scratch_operands = 0 : i64, tpu.core_type = #tpu.core_type<tc>, window_params = [{transform_indices = @transform_0, window_bounds = array<i64: 1, 1>}, {transform_indices = @transform_1, window_bounds = array<i64: 1000, 128>}, {transform_indices = @transform_2, window_bounds = array<i64: 1000, 128>}, {transform_indices = @transform_3, window_bounds = array<i64: 1000, 128>}, {transform_indices = @transform_4, window_bounds = array<i64: 2, 1000, 128>}, {transform_indices = @transform_5, window_bounds = array<i64: 1000, 128>}]} {
    %get3A = arith.constant 0 : index
    %get3A_0 = arith.constant 0 : index
    %get3A_1 = arith.constant 0 : index
    %get3A_2 = vector.load %arg5[%get3A, %get3A_0, %get3A_1] : memref<2x1000x128xf32, #tpu.memory_space<vmem>>, vector<2x1000x128xf32>
    %slice3A = vector.extract_strided_slice %get3A_2 {offsets = [0, 0, 0], sizes = [1, 1000, 1], strides = [1, 1, 1]} : vector<2x1000x128xf32> to vector<1x1000x1xf32>
    %squeeze3A = vector.shape_cast %slice3A : vector<1x1000x1xf32> to vector<1000xf32>
    %slice3A_3 = vector.extract_strided_slice %get3A_2 {offsets = [1, 0, 0], sizes = [1, 1000, 1], strides = [1, 1, 1]} : vector<2x1000x128xf32> to vector<1x1000x1xf32>
    %squeeze3A_4 = vector.shape_cast %slice3A_3 : vector<1x1000x1xf32> to vector<1000xf32>
    %add3A = arith.addf %squeeze3A, %squeeze3A_4 : vector<1000xf32>
    %gt3A = arith.constant 0.000000e+00 : f32
    %gt3A_5 = vector.broadcast %gt3A : f32 to vector<1000xf32>
    %gt3A_6 = arith.cmpf ogt, %add3A, %gt3A_5 : vector<1000xf32>
    %rsqrt3A = math.rsqrt %add3A : vector<1000xf32>
    %jit3A = arith.constant 0.000000e+00 : f32
    %broadcast_in_dim3A = vector.broadcast %jit3A : f32 to vector<1000xf32>
    %select_n3A = arith.select %gt3A_6, %rsqrt3A, %broadcast_in_dim3A : vector<1000xi1>, vector<1000xf32>
    %broadcast_in_dim3A_7 = vector.shape_cast %select_n3A : vector<1000xf32> to vector<1000x1xf32>
    %get3A_8 = arith.constant 0 : index
    %get3A_9 = arith.constant 0 : index
    %get3A_10 = vector.load %arg4[%get3A_8, %get3A_9] : memref<1000x128xf32, #tpu.memory_space<vmem>>, vector<1000x128xf32>
    %get3A_11 = arith.constant 0 : index
    %get3A_12 = arith.constant 0 : index
    %get3A_13 = vector.load %arg3[%get3A_11, %get3A_12] : memref<1000x128xf32, #tpu.memory_space<vmem>>, vector<1000x128xf32>
    %mul3A = vector.broadcast %broadcast_in_dim3A_7 : vector<1000x1xf32> to vector<1000x128xf32>
    %mul3A_14 = arith.mulf %mul3A, %get3A_13 : vector<1000x128xf32>
    %get3A_15 = arith.constant 0 : index
    %get3A_16 = arith.constant 0 : index
    %get3A_17 = vector.load %arg2[%get3A_15, %get3A_16] : memref<1000x128xf32, #tpu.memory_space<vmem>>, vector<1000x128xf32>
    %mul3A_18 = vector.broadcast %broadcast_in_dim3A_7 : vector<1000x1xf32> to vector<1000x128xf32>
    %mul3A_19 = arith.mulf %mul3A_18, %get3A_17 : vector<1000x128xf32>
    %add3A_20 = arith.constant 9.99999997E-7 : f32
    %add3A_21 = vector.broadcast %add3A_20 : f32 to vector<1000x128xf32>
    %add3A_22 = arith.addf %mul3A_19, %add3A_21 : vector<1000x128xf32>
    %div3A = arith.divf %mul3A_14, %add3A_22 : vector<1000x128xf32>
    %get3A_23 = arith.constant 0 : index
    %get3A_24 = arith.constant 0 : index
    %get3A_25 = memref.load %arg1[%get3A_23, %get3A_24] : memref<1x1xf32, #tpu.memory_space<smem>>
    %add3A_26 = arith.constant 1.000000e+00 : f32
    %add3A_27 = arith.addf %add3A_26, %get3A_25 : f32
    %mul3A_28 = vector.broadcast %add3A_27 : f32 to vector<1000x128xf32>
    %mul3A_29 = arith.mulf %mul3A_28, %get3A_10 : vector<1000x128xf32>
    %add3A_30 = arith.addf %div3A, %mul3A_29 : vector<1000x128xf32>
    %swap3A = arith.constant 0 : index
    %swap3A_31 = arith.constant 0 : index
    %swap3A_32 = vector.load %arg6[%swap3A, %swap3A_31] : memref<1000x128xf32, #tpu.memory_space<vmem>>, vector<1000x128xf32>
    tpu.vector_store %arg6[%swap3A, %swap3A_31], %add3A_30 {strides = array<i32>} : memref<1000x128xf32, #tpu.memory_space<vmem>>, vector<1000x128xf32>,
    return
  }
  func.func @transform_0(%arg0: i32) -> (i32, i32) {
    %c0_i32 = arith.constant 0 : i32
    %c0_i32_0 = arith.constant 0 : i32
    %c0_i32_1 = arith.constant 0 : i32
    return %c0_i32, %c0_i32_0 : i32, i32
  }
  func.func @transform_1(%arg0: i32) -> (i32, i32) {
    %c0_i32 = arith.constant 0 : i32
    %c0_i32_0 = arith.constant 0 : i32
    return %arg0, %c0_i32 : i32, i32
  }
  func.func @transform_2(%arg0: i32) -> (i32, i32) {
    %c0_i32 = arith.constant 0 : i32
    %c0_i32_0 = arith.constant 0 : i32
    return %arg0, %c0_i32 : i32, i32
  }
  func.func @transform_3(%arg0: i32) -> (i32, i32) {
    %c0_i32 = arith.constant 0 : i32
    %c0_i32_0 = arith.constant 0 : i32
    return %arg0, %c0_i32 : i32, i32
  }
  func.func @transform_4(%arg0: i32) -> (i32, i32, i32) {
    %c0_i32 = arith.constant 0 : i32
    %c0_i32_0 = arith.constant 0 : i32
    %c0_i32_1 = arith.constant 0 : i32
    return %c0_i32, %arg0, %c0_i32_0 : i32, i32, i32
  }
  func.func @transform_5(%arg0: i32) -> (i32, i32) {
    %c0_i32 = arith.constant 0 : i32
    %c0_i32_0 = arith.constant 0 : i32
    return %arg0, %c0_i32 : i32, i32
  }
}

</mosaic_0001>

<sc_bundles>
// kernel: kernel.10.cloned.1.call-start
scs
__scs_entry_jumppad:
0x0: {  	(pc) =	sbr.rel $0x88, $3  }
0x1: {  	(tag) =	ssettag $0x0;
	lr =	simm.s32 $0x1  }
0x2: {  	[smem:$0x3F9D] =	sst lr;
	_ =	strace $0xD0000000  }
0x3: {  	_ = 	snop  }
0x4: {  	_ = 	snop  }
0x5: {  	_ = 	snop  }
0x6: {  	_ = 	snop  }
0x7: {  	_ = 	snop  }
__scs_overlays_trampoline_lowered:
0x8: {  	[smem:$0x3FAC] =	sst s0  }
0x9: {  	[smem:$0x3FAD] =	sst s1  }
0xa: {  	[smem:$0x3FAE] =	sst s2  }
0xb: {  	[smem:$0x3FAF] =	sst s3  }
0xc: {  	[smem:$0x3FB0] =	sst s4  }
0xd: {  	[smem:$0x3FB1] =	sst s5  }
0xe: {  	[smem:$0x3FB2] =	sst s6  }
0xf: {  	[smem:$0x3FB3] =	sst s7  }
0x10: {  	[smem:$0x3FB4] =	sst s8  }
0x11: {  	[smem:$0x3FB5] =	sst s9;
	s0 =	simm.s32 @!p0 $0x0  }
0x12: {  	s1 =	sld [smem:$0x3F9B];
	s0 =	simm.s32 @p0 $0x1  }
0x13: {  	[smem:$0x3FB6] =	sst s0;
	s0 =	simm.s32 @!p1 $0x0  }
0x14: {  	s2 =	sld [smem:$0x3F9A];
	s0 =	simm.s32 @p1 $0x1  }
0x15: {  	[smem:$0x3FB7] =	sst s0;
	s0 =	simm.s32 @!p2 $0x0  }
0x16: {  	s3 =	sld [smem:$0x3FDB];
	s0 =	simm.s32 @p2 $0x1  }
0x17: {  	s4 =	simm.s32 $0x1BF5;
	[smem:$0x3FB9] =	sst s0  }
0x18: {  	s0 =	sld [smem:$0x3F9C];
	_ =	swait.ge [sflag:s4], $0x0  }
0x19: {  	s7 =	sld [smem:$0x3F9D]  }
0x1a: {  	s8 =	sadd.s32 $0xFFFFE003, lr  }
0x1b: {  	s9 =	sadd.s32 $0xFFFFFEF7, lr;
	s5 =	simm.s32 $0xFFFFFFFF;
	p2 =	slt.u32 s8, $0xFFFFF086  }
0x1c: {  	p1 =	slt.u32 s9, $0xF7A;
	s5 =	simm.s32 @!p2 $0x0  }
0x1d: {  	s5 =	simm.s32 @p1 $0x1;
	p0 =	seq.s32 s7, s2  }
0x1e: {  	s7 =	smul.u32 @!p0 $0xF7A, s2;
	p2 =	seq.s32 @!p0 s5, $0x0  }
0x1f: {  	s9 =	smul.u32 $0xF7A, s1;
	s8 =	simm.s32 @!p0 $0x1BF5;
	p2 =	por !p2, p0  }
0x20: {  	[sflag:s8] =	ssyncset.s32 @!p0 $0xFFFFF086;
	s6 =	sadd.s32 @!p0 s3, s7;
	s7 =	simm.s32 @!p0 $0x108  }
0x21: {  	s3 =	sadd.s32 s3, s9;
	s6 =	sadd.s32 @!p0 $0x88, s6;
	s7 =	simm.s32 @p2 $0x1082  }
0x22: {  	[simem:s7], [sflag:s8] =	dma.local @!p0 [hbm:s6], $0xF7A  }
0x23: {  	s9 =	sor.u32 $0xD0000000, s2;
	s6 =	simm.s32 $0x108;
	_ =	swait.ge @!p0 [sflag:s8], $0x0  }
0x24: {  	s3 =	sadd.s32 $0x88, s3;
	s6 =	simm.s32 @!p1 $0x1082;
	[sflag:s4] =	ssyncset.s32 $0xFFFFF086  }
0x25: {  	[simem:s6], [sflag:s4] =	dma.local [hbm:s3], $0xF7A  }
0x26: {  	[smem:$0x3F9D] =	sst s1;
	(tag) =	ssettag s2;
	_ =	strace s9  }
0x27: {  	s1 =	sld [smem:$0x3FAD]  }
0x28: {  	s2 =	sld [smem:$0x3FAE]  }
0x29: {  	s4 =	sld [smem:$0x3FB0]  }
0x2a: {  	p0 =	seq.s32 s5, $0x0;
	s5 =	sld [smem:$0x3FB1]  }
0x2b: {  	s6 =	sld [smem:$0x3FB2]  }
0x2c: {  	s7 =	sld [smem:$0x3FB3]  }
0x2d: {  	s3 =	simm.s32 $0x108;
	s8 =	sld [smem:$0x3FB4]  }
0x2e: {  	s3 =	simm.s32 @!p0 $0x1082;
	s9 =	sld [smem:$0x3FB5]  }
0x2f: {  	lr =	sadd.s32 s0, s3;
	s0 =	sld [smem:$0x3FAC]  }
0x30: {  	s3 =	sld [smem:$0x3FAF]  }
0x31: {  	[smem:$0x3FB8] =	sst s10  }
0x32: {  	s10 =	sld [smem:$0x3FB6];
	_ =	sdelay $0x3  }
0x33: {  	p0 =	seq.s32 s10, $0x1;
	s10 =	sld [smem:$0x3FB8];
	_ =	sdelay $0x3  }
0x34: {  	[smem:$0x3FB8] =	sst s10  }
0x35: {  	s10 =	sld [smem:$0x3FB7];
	_ =	sdelay $0x3  }
0x36: {  	p1 =	seq.s32 s10, $0x1;
	s10 =	sld [smem:$0x3FB8];
	_ =	sdelay $0x3  }
0x37: {  	[smem:$0x3FB8] =	sst s10  }
0x38: {  	s10 =	sld [smem:$0x3FB9]  }
0x39: {  	_ = 	snop;
	(pc) =	sbr.ind lr, $3  }
0x3a: {  	_ = 	snop  }
0x3b: {  	_ = 	snop  }
0x3c: {  	p2 =	seq.s32 s10, $0x1;
	s10 =	sld [smem:$0x3FB8]  }
0x3d: {  	_ =	shalt  }
0x3e: {  	_ =	shalt  }
0x3f: {  	_ =	shalt  }
0x40: {  	_ =	shalt  }
0x41: {  	_ =	shalt  }
0x42: {  	_ =	shalt  }
0x43: {  	_ =	shalt  }
0x44: {  	_ =	shalt  }
0x45: {  	_ =	shalt  }
0x46: {  	_ =	shalt  }
0x47: {  	_ =	shalt  }
0x48: {  	_ =	shalt  }
0x49: {  	_ =	shalt  }
0x4a: {  	_ =	shalt  }
0x4b: {  	_ =	shalt  }
0x4c: {  	_ =	shalt  }
0x4d: {  	_ =	shalt  }
0x4e: {  	_ =	shalt  }
0x4f: {  	_ =	shalt  }
0x50: {  	_ =	shalt  }
0x51: {  	_ =	shalt  }
0x52: {  	_ =	shalt  }
0x53: {  	_ =	shalt  }
0x54: {  	_ =	shalt  }
0x55: {  	_ =	shalt  }
0x56: {  	_ =	shalt  }
0x57: {  	_ =	shalt  }
0x58: {  	_ =	shalt  }
0x59: {  	_ =	shalt  }
0x5a: {  	_ =	shalt  }
0x5b: {  	_ =	shalt  }
0x5c: {  	_ =	shalt  }
0x5d: {  	_ =	shalt  }
0x5e: {  	_ =	shalt  }
0x5f: {  	_ =	shalt  }
0x60: {  	_ =	shalt  }
0x61: {  	_ =	shalt  }
0x62: {  	_ =	shalt  }
0x63: {  	_ =	shalt  }
0x64: {  	_ =	shalt  }
0x65: {  	_ =	shalt  }
0x66: {  	_ =	shalt  }
0x67: {  	_ =	shalt  }
0x68: {  	_ =	shalt  }
0x69: {  	_ =	shalt  }
0x6a: {  	_ =	shalt  }
0x6b: {  	_ =	shalt  }
0x6c: {  	_ =	shalt  }
0x6d: {  	_ =	shalt  }
0x6e: {  	_ =	shalt  }
0x6f: {  	_ =	shalt  }
0x70: {  	_ =	shalt  }
0x71: {  	_ =	shalt  }
0x72: {  	_ =	shalt  }
0x73: {  	_ =	shalt  }
0x74: {  	_ =	shalt  }
0x75: {  	_ =	shalt  }
0x76: {  	_ =	shalt  }
0x77: {  	_ =	shalt  }
0x78: {  	_ =	shalt  }
0x79: {  	_ =	shalt  }
0x7a: {  	_ =	shalt  }
0x7b: {  	_ =	shalt  }
0x7c: {  	_ =	shalt  }
0x7d: {  	_ =	shalt  }
0x7e: {  	_ =	shalt  }
0x7f: {  	_ =	shalt  }
0x80: {  	_ =	shalt  }
0x81: {  	_ =	shalt  }
0x82: {  	_ =	shalt  }
0x83: {  	_ =	shalt  }
0x84: {  	_ =	shalt  }
0x85: {  	_ =	shalt  }
0x86: {  	_ =	shalt  }
0x87: {  	_ =	shalt  }
.Lfunc_end0:
.L_simem_size_0:
called_computation.1_lowered:
.L_overlay_start_0:
0x88: {  	s2 =	sld [smem:$0x3FD9]  }
0x89: {  	s3 =	sld [smem:$0x3FFE];
	_ =	sdelay $0x1  }
0x8a: {  	s1 =	srdreg.scid  }
0x8b: {  	s0 =	sand.u32 $0x1, s1  }
0x8c: {  	s17 =	sshll.u32 s0, $0xA;
	s2 =	sadd.s32 s3, s2  }
0x8d: {  	s2 =	sadd.s32 s2, s17  }
0x8e: {  	[smem:$0x3FC4] =	sst s2  }
0x8f: {  	_ = 	snop  }
0x90: {  	s2 =	sld [smem:$0x3FD0];
	(tm) =	ssettm $0x1  }
0x91: {  	s18 =	sld [smem:$0x3FFB];
	_ =	sdelay $0x3  }
0x92: {  	_ =	strace s18  }
0x93: {  	s3 =	sld [smem:$0x3FFC];
	_ =	sdelay $0x3  }
0x94: {  	_ =	strace s3  }
0x95: {  	s3 =	sld [smem:$0x3FFD];
	_ =	sdelay $0x3  }
0x96: {  	_ =	strace s3  }
0x97: {  	_ =	strace $0x8FFFFFFF  }
0x98: {  	s19 =	sld [smem:$0x3FDB];
	_ =	sdelay $0x1  }
0x99: {  	s4 =	simm.s32 $_scs_section_size  }
0x9a: {  	s5 =	simm.s32 $_size__tile_overlayer_lowered;
	s6 =	simm.s32 $_tile_overlayer_lowered  }
0x9b: {  	s22 =	simm.s32 $0x1BFF;
	s21 =	sshll.u32 s6, $0x1;
	s3 =	sadd.s32 s4, s19  }
0x9c: {  	s7 =	simm.s32 $0x0;
	s20 =	sshll.u32 s5, $0x1;
	s5 =	sadd.s32 s21, s3  }
0x9d: {  	[timem:s7], [sflag:s22] =	dma.local [hbm:s5], s20  }
0x9e: {  	_ =	swait.ge [sflag:s22], s20  }
0x9f: {  	s4 =	ssub.s32 $0x0, s20;
	[sflag:s22] =	ssyncset.done $0x0  }
0xa0: {  	[sflag:s22] =	ssyncadd.s32 s4;
	_ =	sdelay $0x1  }
0xa1: {  	s23 =	simm.s32 $0x1B8B  }
0xa2: {  	_ =	swait.ge [sflag:s23], $0x1  }
0xa3: {  	[sflag:s23] =	ssyncset.done $0x0  }
0xa4: {  	s25 =	simm.s32 $0x1B8E;
	s24 =	sld [smem:$0x3FFE];
	[sflag:s23] =	ssyncadd.s32 $0xFFFFFFFF  }
0xa5: {  	s26 =	simm.s32 $execute0_lowered;
	[smem:$0x3FD2] =	sst s25  }
0xa6: {  	s5 =	sshll.u32 s26, $0x1;
	_ =	strace $0x80000049;
	[dreg:$0x1] =	wrdreg $0xFFFFFFFF  }
0xa7: {  	s28 =	simm.s32 $_size_execute0_lowered;
	s3 =	sadd.s32 s3, s5;
	[dreg:$0x0] =	wrdreg $0x0  }
0xa8: {  	s5 =	sshll.u32 s28, $0x1;
	[dreg:$0x2] =	wrdreg s3  }
0xa9: {  	[dreg:$0x3] =	wrdreg s5  }
0xaa: {  	[dreg:$0x4] =	wrdreg $0xC0  }
0xab: {  	_ =	task [dreg:s7], $0x5FFFF  }
0xac: {  	[dreg:$0x1] =	wrdreg $0xFFFFFFFF  }
0xad: {  	[dreg:$0x0] =	wrdreg $0x60  }
0xae: {  	[dreg:$0x2] =	wrdreg s24  }
0xaf: {  	[dreg:$0x3] =	wrdreg s2  }
0xb0: {  	[dreg:$0x4] =	wrdreg $0x9C000  }
0xb1: {  	[dreg:$0x5] =	wrdreg $0x9  }
0xb2: {  	_ =	task.clear_ibuf [dreg:s7], $0x6FFFF;
	_ =	strace $0x90000049  }
0xb3: {  	s29 =	simm.s32 $0x9;
	_ =	strace $0x8000004B  }
0xb4: {  	_ =	swait.ge [sflag:s29], $0x1  }
0xb5: {  	[sflag:s29] =	ssyncadd.s32 $0xFFFFFFFF  }
0xb6: {  	_ =	strace $0x9000004B  }
0xb7: {  	_ =	sfence  }
0xb8: {  	s30 =	sld [smem:$0x0];
	_ =	sdelay $0x2  }
0xb9: {  	s31 =	sshll.u32 s1, $0xD;
	s1 =	sshrl.u32 s1, $0x2  }
0xba: {  	s3 =	sand.u32 $0x4000, s31;
	s1 =	sadd.s32 s1, s30  }
0xbb: {  	s0 =	sor.u32 s3, s0;
	s1 =	sshll.u32 s1, $0x11  }
0xbc: {  	s0 =	sor.u32 s1, s0  }
0xbd: {  	s0 =	sadd.s32 $0x8F2B, s0  }
0xbe: {  	[sflag:s0] =	ssyncadd.remote.s32 $0x1  }
0xbf: {  	_ =	sfence.sel $0xFFFF  }
0xc0: {  	[dreg:$0x0] =	wrdreg $0xFFFFFFFF;
	(pc) =	sbr.abs _section_cstart, $3  }
0xc1: {  	[dreg:$0x1] =	wrdreg $0xFFFFFFFF  }
0xc2: {  	_ =	task.clear_ibuf [dreg:s7], $0x2FFFF;
	_ =	strace $0x9FFFFFFF  }
0xc3: {  	(tm) =	ssettm $0x7FFFFFFF  }
tec
execute0_lowered:
.L_overlay_start_1:
0x0: {  	(tag) =	ssettag $0x1  }
0x1: {  	s0 =	rddreg [dreg:$0x0]  }
0x2: {  	s2 =	rddreg [dreg:$0x1]  }
0x3: {  	s1 =	rddreg [dreg:$0x2];
	s21 =	simm.s32 $0x0;
	s3 =	srdreg.scid  }
0x4: {  	s15 =	stileid.u32;
	s13 =	simm.s32 $0xE7A00;
	s29 =	simm.s32 $0x8800  }
0x5: {  	s30 =	simm.s32 $0x1;
	s31 =	simm.s32 $0x2;
	s16 =	simm.s32 $0x200  }
0x6: {  	s17 =	simm.s32 $0x6;
	[smem:$0x7FF] =	sst s21;
	s4 =	sadd.s32 $0x75800, s0  }
0x7: {  	s5 =	sadd.s32 $0x52400, s0;
	s3 =	sand.u32 $0x1, s3;
	s7 =	smul.u32 $0x50000, s15  }
0x8: {  	s6 =	sadd.s32 $0x98800, s0;
	s8 =	sadd.s32 $0x1600, s0;
	s10 =	sshll.u32 s15, $0x6  }
0x9: {  	_ =	strace $0x8000004A;
	[dreg:$0x5] =	wrdreg s8;
	s18 =	ssub.s32 $0x2, s3  }
0xa: {  	s23 =	sor.u32 $0x1C0B, s10;
	p0 =	seq.s32 s3, $0x1;
	s10 =	simm.s32 $0x100  }
0xb: {  	s9 =	sshrl.u32 s18, $0x1;
	s7 =	sshrl.u32 s7, $0x2;
	s13 =	simm.s32 @!p0 $0xBFA00  }
0xc: {  	p0 =	seq.s32 s3, $0x0;
	s3 =	simm.s32 $0x3;
	[dreg:$0x6] =	wrdreg s23  }
0xd: {  	s8 =	ssub.s32 s18, s9;
	s7 =	sadd.s32 s7, s1;
	s9 =	smul.u32 $0x11800, s15  }
0xe: {  	s15 =	smul.u32 $0x2800, s15;
	s0 =	sadd.s32 s13, s0;
	s6 =	smov.u32 @p0 s2  }
0xf: {  	s13 =	simm.s32 $0xB;
	s18 =	simm.s32 $0x1C00;
	s2 =	simm.s32 $0xA  }
0x10: {  	s19 =	sadd.s32 $0x4000, s7;
	s11 =	sadd.s32 $0x8000, s7;
	s12 =	sadd.s32 $0xC000, s7  }
0x11: {  	s14 =	sadd.s32 $0x10000, s7;
	s20 =	smax.u32 s8, $0x1;
	s28 =	sshrl.u32 s7, $0x3  }
0x12: {  	s7 =	simm.s32 $0x8;
	s8 =	simm.s32 $0x9;
	[dreg:$0x7] =	wrdreg s20  }
0x13: {  	s0 =	sadd.s32 s0, s15;
	s22 =	sshrl.u32 s19, $0x3;
	[dreg:$0x9] =	wrdreg s28  }
0x14: {  	s24 =	sshrl.u32 s11, $0x3;
	s25 =	sshrl.u32 s12, $0x3;
	[dreg:$0x8] =	wrdreg s0  }
0x15: {  	s26 =	sshrl.u32 s14, $0x3;
	s19 =	simm.s32 $0x28;
	[dreg:$0xa] =	wrdreg s22  }
0x16: {  	s20 =	simm.s32 $0x3800;
	s11 =	simm.s32 $0x4;
	[dreg:$0xb] =	wrdreg s24  }
0x17: {  	s14 =	simm.s32 $0x180;
	s15 =	simm.s32 $0x5;
	[dreg:$0xc] =	wrdreg s25  }
0x18: {  	s12 =	simm.s32 $0x7;
	[dreg:$0xd] =	wrdreg s26;
	s22 =	simm.s32 $0x4C00  }
0x19: {  	s24 =	simm.s32 $0x6000;
	s26 =	simm.s32 $0x7400;
	s0 =	simm.s32 $0x80  }
.LBB2_1:
0x1a: {  	[dreg:$0x4] =	wrdreg s21  }
0x1b: {  	s21 =	rddreg [dreg:$0x5]  }
0x1c: {  	[spmem:s28], [sflag:s23] =	dma.local [hbm:s21], $0x800  }
0x1d: {  	_ =	swait.ge [sflag:s13], $0x800  }
0x1e: {  	[sflag:s13] =	ssyncset.done $0x0  }
0x1f: {  	s25 =	rddreg [dreg:$0xa];
	[sflag:s13] =	ssyncadd.s32 $0xFFFFF800  }
0x20: {  	[spmem:s25], [sflag:s23] =	dma.local [hbm:s21], $0x800  }
0x21: {  	_ =	swait.ge [sflag:s13], $0x800  }
0x22: {  	[sflag:s13] =	ssyncset.done $0x0  }
0x23: {  	s28 =	rddreg [dreg:$0xb];
	[sflag:s13] =	ssyncadd.s32 $0xFFFFF800  }
0x24: {  	[spmem:s28], [sflag:s23] =	dma.local [hbm:s21], $0x800  }
0x25: {  	_ =	swait.ge [sflag:s13], $0x800  }
0x26: {  	[sflag:s13] =	ssyncset.done $0x0  }
0x27: {  	s28 =	rddreg [dreg:$0xc];
	[sflag:s13] =	ssyncadd.s32 $0xFFFFF800  }
0x28: {  	[spmem:s28], [sflag:s23] =	dma.local [hbm:s21], $0x800  }
0x29: {  	_ =	swait.ge [sflag:s13], $0x800  }
0x2a: {  	[sflag:s13] =	ssyncset.done $0x0  }
0x2b: {  	s28 =	rddreg [dreg:$0xd];
	[sflag:s13] =	ssyncadd.s32 $0xFFFFF800  }
0x2c: {  	[spmem:s28], [sflag:s23] =	dma.local [hbm:s21], $0x800  }
0x2d: {  	_ =	swait.ge [sflag:s13], $0x800  }
0x2e: {  	[sflag:s13] =	ssyncset.done $0x0  }
0x2f: {  	[sflag:s13] =	ssyncadd.s32 $0xFFFFF800  }
0x30: {  	s21 =	simm.s32 $0x0;
	[bflag:$0x0] =	sbarrier.arrive $0xFFFF  }
.LBB2_2:
0x31: {  	s23 =	smul.u32 $0x1C00, s21;
	_ =	sdelay $0x1  }
0x32: {  	s23 =	sadd.s32 s9, s23  }
0x33: {  	s23 =	sshrl.u32 s23, $0x3  }
0x34: {  	s28 =	simm.s32 $0x0;
	s25 =	sadd.s32 s4, s23  }
0x35: {  	[tilespmem:s28], [sflag:$0xB] =	stream.linear.gather [hbm4b:s25+s28], $0x1900, $0x38;
	[tilespmem:$0x1DC00] =	vst v63  }
0x36: {  	_ =	swait.ge [sflag:s13], $0x1900  }
0x37: {  	[sflag:s13] =	ssyncset.done $0x0  }
0x38: {  	s23 =	sadd.s32 s5, s23;
	[sflag:s13] =	ssyncadd.s32 $0xFFFFE700  }
0x39: {  	[tilespmem:s18], [sflag:$0xB] =	stream.linear.gather [hbm4b:s23+s28], $0x1900, $0x38;
	[tilespmem:$0x1DC00] =	vst v63  }
0x3a: {  	_ =	swait.ge [sflag:s13], $0x1900  }
0x3b: {  	[sflag:s13] =	ssyncset.done $0x0  }
0x3c: {  	[sflag:s13] =	ssyncadd.s32 $0xFFFFE700  }
0x3d: {  	[tilespmem:s20], [sflag:$0x1] =	stream.indirect.gather [hbm4b:s6+s19], $0x80, s18, s19, $0xb8;
	[tilespmem:$0x1DC00] =	vst v63  }
0x3e: {  	s25 =	simm.s32 $0x1C80  }
0x3f: {  	[tilespmem:s22], [sflag:$0x2] =	stream.indirect.gather [hbm4b:s6+s19], $0x80, s25, s19, $0xb8;
	[tilespmem:$0x1DC00] =	vst v63  }
0x40: {  	s25 =	simm.s32 $0x1D00  }
0x41: {  	[tilespmem:s24], [sflag:$0x3] =	stream.indirect.gather [hbm4b:s6+s19], $0x80, s25, s19, $0xb8;
	[tilespmem:$0x1DC00] =	vst v63  }
0x42: {  	s25 =	simm.s32 $0x1D80  }
0x43: {  	[tilespmem:s26], [sflag:$0x4] =	stream.indirect.gather [hbm4b:s6+s19], $0x80, s25, s19, $0xb8;
	[tilespmem:$0x1DC00] =	vst v63  }
0x44: {  	s25 =	simm.s32 $0x1E00  }
0x45: {  	[tilespmem:s29], [sflag:$0x5] =	stream.indirect.gather [hbm4b:s6+s19], $0x80, s25, s19, $0xb8;
	[tilespmem:$0x1DC00] =	vst v63  }
0x46: {  	_ =	swait.ge [sflag:s30], $0x1400  }
0x47: {  	[sflag:s30] =	ssyncset.done $0x0  }
0x48: {  	[sflag:s30] =	ssyncadd.s32 $0xFFFFEC00  }
0x49: {  	[spmem:s1] =	stream.indirect.scatter.add.f32 [tilespmem:s20], [sflag:$0x6], $0x80, s28, s19, $0xb8;
	[tilespmem:$0x1DC00] =	vst v63  }
0x4a: {  	_ =	swait.ge [sflag:s31], $0x1400  }
0x4b: {  	[sflag:s31] =	ssyncset.done $0x0  }
0x4c: {  	[sflag:s31] =	ssyncadd.s32 $0xFFFFEC00  }
0x4d: {  	[spmem:s1] =	stream.indirect.scatter.add.f32 [tilespmem:s22], [sflag:$0x7], $0x80, s0, s19, $0xb8;
	[tilespmem:$0x1DC00] =	vst v63  }
0x4e: {  	_ =	swait.ge [sflag:s3], $0x1400  }
0x4f: {  	[sflag:s3] =	ssyncset.done $0x0  }
0x50: {  	[sflag:s3] =	ssyncadd.s32 $0xFFFFEC00  }
0x51: {  	[spmem:s1] =	stream.indirect.scatter.add.f32 [tilespmem:s24], [sflag:$0x8], $0x80, s10, s19, $0xb8;
	[tilespmem:$0x1DC00] =	vst v63  }
0x52: {  	_ =	swait.ge [sflag:s11], $0x1400  }
0x53: {  	[sflag:s11] =	ssyncset.done $0x0  }
0x54: {  	[sflag:s11] =	ssyncadd.s32 $0xFFFFEC00  }
0x55: {  	[spmem:s1] =	stream.indirect.scatter.add.f32 [tilespmem:s26], [sflag:$0x9], $0x80, s14, s19, $0xb8;
	[tilespmem:$0x1DC00] =	vst v63  }
0x56: {  	_ =	swait.ge [sflag:s15], $0x1400  }
0x57: {  	[sflag:s15] =	ssyncset.done $0x0  }
0x58: {  	[sflag:s15] =	ssyncadd.s32 $0xFFFFEC00  }
0x59: {  	[spmem:s1] =	stream.indirect.scatter.add.f32 [tilespmem:s29], [sflag:$0xA], $0x80, s16, s19, $0xb8;
	[tilespmem:$0x1DC00] =	vst v63  }
0x5a: {  	_ =	swait.ge [sflag:s17], $0x1400  }
0x5b: {  	[sflag:s17] =	ssyncset.done $0x0  }
0x5c: {  	s28 =	simm.s32 $0x1E80;
	[sflag:s17] =	ssyncadd.s32 $0xFFFFEC00  }
0x5d: {  	[tilespmem:s20], [sflag:$0x1] =	stream.indirect.gather [hbm4b:s6+s19], $0x80, s28, s19, $0xb8;
	[tilespmem:$0x1DC00] =	vst v63  }
0x5e: {  	_ =	swait.ge [sflag:s12], $0x1400  }
0x5f: {  	[sflag:s12] =	ssyncset.done $0x0  }
0x60: {  	s25 =	simm.s32 $0x1F00;
	[sflag:s12] =	ssyncadd.s32 $0xFFFFEC00  }
0x61: {  	[tilespmem:s22], [sflag:$0x2] =	stream.indirect.gather [hbm4b:s6+s19], $0x80, s25, s19, $0xb8;
	[tilespmem:$0x1DC00] =	vst v63  }
0x62: {  	_ =	swait.ge [sflag:s7], $0x1400  }
0x63: {  	[sflag:s7] =	ssyncset.done $0x0  }
0x64: {  	s28 =	simm.s32 $0x1F80;
	[sflag:s7] =	ssyncadd.s32 $0xFFFFEC00  }
0x65: {  	[tilespmem:s24], [sflag:$0x3] =	stream.indirect.gather [hbm4b:s6+s19], $0x80, s28, s19, $0xb8;
	[tilespmem:$0x1DC00] =	vst v63  }
0x66: {  	_ =	swait.ge [sflag:s8], $0x1400  }
0x67: {  	[sflag:s8] =	ssyncset.done $0x0  }
0x68: {  	s25 =	simm.s32 $0x2000;
	[sflag:s8] =	ssyncadd.s32 $0xFFFFEC00  }
0x69: {  	[tilespmem:s26], [sflag:$0x4] =	stream.indirect.gather [hbm4b:s6+s19], $0x80, s25, s19, $0xb8;
	[tilespmem:$0x1DC00] =	vst v63  }
0x6a: {  	_ =	swait.ge [sflag:s2], $0x1400  }
0x6b: {  	[sflag:s2] =	ssyncset.done $0x0  }
0x6c: {  	s28 =	simm.s32 $0x2080;
	[sflag:s2] =	ssyncadd.s32 $0xFFFFEC00  }
0x6d: {  	[tilespmem:s29], [sflag:$0x5] =	stream.indirect.gather [hbm4b:s6+s19], $0x80, s28, s19, $0xb8;
	[tilespmem:$0x1DC00] =	vst v63  }
0x6e: {  	_ =	swait.ge [sflag:s30], $0x1400  }
0x6f: {  	[sflag:s30] =	ssyncset.done $0x0  }
0x70: {  	s25 =	simm.s32 $0x280;
	[sflag:s30] =	ssyncadd.s32 $0xFFFFEC00  }
0x71: {  	[spmem:s1] =	stream.indirect.scatter.add.f32 [tilespmem:s20], [sflag:$0x6], $0x80, s25, s19, $0xb8;
	[tilespmem:$0x1DC00] =	vst v63  }
0x72: {  	_ =	swait.ge [sflag:s31], $0x1400  }
0x73: {  	[sflag:s31] =	ssyncset.done $0x0  }
0x74: {  	s28 =	simm.s32 $0x300;
	[sflag:s31] =	ssyncadd.s32 $0xFFFFEC00  }
0x75: {  	[spmem:s1] =	stream.indirect.scatter.add.f32 [tilespmem:s22], [sflag:$0x7], $0x80, s28, s19, $0xb8;
	[tilespmem:$0x1DC00] =	vst v63  }
0x76: {  	_ =	swait.ge [sflag:s3], $0x1400  }
0x77: {  	[sflag:s3] =	ssyncset.done $0x0  }
0x78: {  	s25 =	simm.s32 $0x380;
	[sflag:s3] =	ssyncadd.s32 $0xFFFFEC00  }
0x79: {  	[spmem:s1] =	stream.indirect.scatter.add.f32 [tilespmem:s24], [sflag:$0x8], $0x80, s25, s19, $0xb8;
	[tilespmem:$0x1DC00] =	vst v63  }
0x7a: {  	_ =	swait.ge [sflag:s11], $0x1400  }
0x7b: {  	[sflag:s11] =	ssyncset.done $0x0  }
0x7c: {  	s28 =	simm.s32 $0x400;
	[sflag:s11] =	ssyncadd.s32 $0xFFFFEC00  }
0x7d: {  	[spmem:s1] =	stream.indirect.scatter.add.f32 [tilespmem:s26], [sflag:$0x9], $0x80, s28, s19, $0xb8;
	[tilespmem:$0x1DC00] =	vst v63  }
0x7e: {  	_ =	swait.ge [sflag:s15], $0x1400  }
0x7f: {  	[sflag:s15] =	ssyncset.done $0x0  }
0x80: {  	s23 =	simm.s32 $0xA00;
	s25 =	simm.s32 $0x480;
	[sflag:s15] =	ssyncadd.s32 $0xFFFFEC00  }
.LBB2_3:
0x81: {  	[spmem:s1] =	stream.indirect.scatter.add.f32 [tilespmem:s29], [sflag:$0xA], $0x80, s25, s19, $0xb8;
	[tilespmem:$0x1DC00] =	vst v63  }
0x82: {  	s25 =	smov.u32 s23  }
0x83: {  	p0 =	sne.s32 s23, $0x5000;
	s23 =	sadd.s32 $0xA00, s23;
	_ =	swait.ge [sflag:s17], $0x1400  }
0x84: {  	s25 =	sshra.s32 s25, $0x2;
	[sflag:s17] =	ssyncset.done $0x0  }
0x85: {  	s28 =	sadd.s32 $0x1E80, s25;
	[sflag:s17] =	ssyncadd.s32 $0xFFFFEC00  }
0x86: {  	[tilespmem:s20], [sflag:$0x1] =	stream.indirect.gather [hbm4b:s6+s19], $0x80, s28, s19, $0xb8;
	[tilespmem:$0x1DC00] =	vst v63  }
0x87: {  	_ =	swait.ge [sflag:s12], $0x1400  }
0x88: {  	[sflag:s12] =	ssyncset.done $0x0  }
0x89: {  	s28 =	sadd.s32 $0x1F00, s25;
	[sflag:s12] =	ssyncadd.s32 $0xFFFFEC00  }
0x8a: {  	[tilespmem:s22], [sflag:$0x2] =	stream.indirect.gather [hbm4b:s6+s19], $0x80, s28, s19, $0xb8;
	[tilespmem:$0x1DC00] =	vst v63  }
0x8b: {  	_ =	swait.ge [sflag:s7], $0x1400  }
0x8c: {  	[sflag:s7] =	ssyncset.done $0x0  }
0x8d: {  	s28 =	sadd.s32 $0x1F80, s25;
	[sflag:s7] =	ssyncadd.s32 $0xFFFFEC00  }
0x8e: {  	[tilespmem:s24], [sflag:$0x3] =	stream.indirect.gather [hbm4b:s6+s19], $0x80, s28, s19, $0xb8;
	[tilespmem:$0x1DC00] =	vst v63  }
0x8f: {  	_ =	swait.ge [sflag:s8], $0x1400  }
0x90: {  	[sflag:s8] =	ssyncset.done $0x0  }
0x91: {  	s28 =	sadd.s32 $0x2000, s25;
	[sflag:s8] =	ssyncadd.s32 $0xFFFFEC00  }
0x92: {  	[tilespmem:s26], [sflag:$0x4] =	stream.indirect.gather [hbm4b:s6+s19], $0x80, s28, s19, $0xb8;
	[tilespmem:$0x1DC00] =	vst v63  }
0x93: {  	_ =	swait.ge [sflag:s2], $0x1400  }
0x94: {  	[sflag:s2] =	ssyncset.done $0x0  }
0x95: {  	s28 =	sadd.s32 $0x2080, s25;
	[sflag:s2] =	ssyncadd.s32 $0xFFFFEC00  }
0x96: {  	[tilespmem:s29], [sflag:$0x5] =	stream.indirect.gather [hbm4b:s6+s19], $0x80, s28, s19, $0xb8;
	[tilespmem:$0x1DC00] =	vst v63  }
0x97: {  	_ =	swait.ge [sflag:s30], $0x1400  }
0x98: {  	[sflag:s30] =	ssyncset.done $0x0  }
0x99: {  	s28 =	sadd.s32 $0x280, s25;
	[sflag:s30] =	ssyncadd.s32 $0xFFFFEC00  }
0x9a: {  	[spmem:s1] =	stream.indirect.scatter.add.f32 [tilespmem:s20], [sflag:$0x6], $0x80, s28, s19, $0xb8;
	[tilespmem:$0x1DC00] =	vst v63  }
0x9b: {  	_ =	swait.ge [sflag:s31], $0x1400  }
0x9c: {  	[sflag:s31] =	ssyncset.done $0x0  }
0x9d: {  	s28 =	sadd.s32 $0x300, s25;
	[sflag:s31] =	ssyncadd.s32 $0xFFFFEC00  }
0x9e: {  	[spmem:s1] =	stream.indirect.scatter.add.f32 [tilespmem:s22], [sflag:$0x7], $0x80, s28, s19, $0xb8;
	[tilespmem:$0x1DC00] =	vst v63  }
0x9f: {  	_ =	swait.ge [sflag:s3], $0x1400  }
0xa0: {  	[sflag:s3] =	ssyncset.done $0x0  }
0xa1: {  	s28 =	sadd.s32 $0x380, s25;
	[sflag:s3] =	ssyncadd.s32 $0xFFFFEC00  }
0xa2: {  	[spmem:s1] =	stream.indirect.scatter.add.f32 [tilespmem:s24], [sflag:$0x8], $0x80, s28, s19, $0xb8;
	[tilespmem:$0x1DC00] =	vst v63  }
0xa3: {  	_ =	swait.ge [sflag:s11], $0x1400  }
0xa4: {  	[sflag:s11] =	ssyncset.done $0x0  }
.Ltmp0:
0xa5: {  	s28 =	sadd.s32 $0x400, s25;
	[sflag:s11] =	ssyncadd.s32 $0xFFFFEC00;
	(pc) =	sbr.rel @p0 .LBB2_3-.Ltmp0, $4  }
0xa6: {  	[spmem:s1] =	stream.indirect.scatter.add.f32 [tilespmem:s26], [sflag:$0x9], $0x80, s28, s19, $0xb8;
	[tilespmem:$0x1DC00] =	vst v63  }
0xa7: {  	_ =	swait.ge [sflag:s15], $0x1400  }
0xa8: {  	[sflag:s15] =	ssyncset.done $0x0  }
0xa9: {  	s25 =	sadd.s32 $0x480, s25;
	[sflag:s15] =	ssyncadd.s32 $0xFFFFEC00  }
0xaa: {  	[spmem:s1] =	stream.indirect.scatter.add.f32 [tilespmem:s29], [sflag:$0xA], $0x80, s25, s19, $0xb8;
	[tilespmem:$0x1DC00] =	vst v63  }
0xab: {  	_ =	swait.ge [sflag:s17], $0x1400  }
0xac: {  	[sflag:s17] =	ssyncset.done $0x0  }
0xad: {  	[sflag:s17] =	ssyncadd.s32 $0xFFFFEC00  }
0xae: {  	_ =	swait.ge [sflag:s12], $0x1400  }
0xaf: {  	[sflag:s12] =	ssyncset.done $0x0  }
0xb0: {  	[sflag:s12] =	ssyncadd.s32 $0xFFFFEC00  }
0xb1: {  	_ =	swait.ge [sflag:s7], $0x1400  }
0xb2: {  	[sflag:s7] =	ssyncset.done $0x0  }
0xb3: {  	s21 =	sadd.s32 $0x1, s21;
	[sflag:s7] =	ssyncadd.s32 $0xFFFFEC00  }
0xb4: {  	p0 =	sne.s32 s21, $0xA;
	_ =	swait.ge [sflag:s8], $0x1400  }
.Ltmp1:
0xb5: {  	[sflag:s8] =	ssyncset.done $0x0;
	(pc) =	sbr.rel @p0 .LBB2_2-.Ltmp1, $4  }
0xb6: {  	[sflag:s8] =	ssyncadd.s32 $0xFFFFEC00  }
0xb7: {  	_ =	swait.ge [sflag:s2], $0x1400  }
0xb8: {  	[sflag:s2] =	ssyncset.done $0x0  }
0xb9: {  	[sflag:s2] =	ssyncadd.s32 $0xFFFFEC00  }
0xba: {  	[bflag:$0x0] =	sbarrier.arrive $0xFFFF  }
0xbb: {  	s23 =	rddreg [dreg:$0x6]  }
0xbc: {  	s21 =	rddreg [dreg:$0x8]  }
0xbd: {  	s28 =	rddreg [dreg:$0x9]  }
0xbe: {  	[hbm:s21], [sflag:s23] =	dma.local [spmem:s28], $0x2800  }
0xbf: {  	_ =	swait.ge [sflag:s13], $0x2800  }
0xc0: {  	s25 =	rddreg [dreg:$0x4]  }
0xc1: {  	s21 =	sadd.s32 $0x1, s25;
	s25 =	rddreg [dreg:$0x7]  }
0xc2: {  	p0 =	sne.s32 s21, s25  }
.Ltmp2:
0xc3: {  	_ = 	snop;
	(pc) =	sbr.rel @p0 .LBB2_1-.Ltmp2, $3  }
0xc4: {  	_ =	sdelay $0x1  }
0xc5: {  	[sflag:s13] =	ssyncset.done $0x0  }
0xc6: {  	[sflag:s13] =	ssyncadd.s32 $0xFFFFD800  }
0xc7: {  	_ =	sfence.sel $0x180000  }
0xc8: {  	[bflag:$0x0] =	sbarrier.arrive $0xFFFF  }
0xc9: {  	_ =	strace $0x9000004A  }
0xca: {  	s0 =	stileid.u32;
	[bflag:$0x2] =	sbarrier.arrive $0xFFFF  }
0xcb: {  	p0 =	sne.s32 s0, $0x0;
	s0 =	rddreg [dreg:$0x3]  }
0xcc: {  	s0 =	sadd.s32 @!p0 $0x100000, s0  }
0xcd: {  	[sflag:s0] =	ssyncadd.tile.s32 @!p0 $0x1;
	_ =	shalt  }
.Lfunc_end2:
_tile_overlayer_lowered:
.L_overlay_start_2:
0xce: {  	(tag) =	ssettag $0x2  }
0xcf: {  	s0 =	rddreg [dreg:$0x0];
	s2 =	stileid.u32  }
0xd0: {  	s1 =	rddreg [dreg:$0x1];
	p0 =	sne.s32 s2, $0x0  }
0xd1: {  	s3 =	rddreg [dreg:$0x2];
	[bflag:$0x3] =	sbarrier.arrive $0xFFFF;
	s2 =	simm.s32 @!p0 $0x1C0B  }
0xd2: {  	[timem:s3], [sflag:s2] =	dma.local @!p0 [hbm:s0], s1  }
0xd3: {  	s0 =	simm.s32 @!p0 $0xB  }
0xd4: {  	_ =	swait.ge @!p0 [sflag:s0], s1  }
0xd5: {  	s1 =	ssub.s32 @!p0 $0x0, s1;
	[sflag:s0] =	ssyncset.done @!p0 $0x0  }
0xd6: {  	[sflag:s0] =	ssyncadd.s32 @!p0 s1  }
0xd7: {  	[bflag:$0x3] =	sbarrier.arrive $0xFFFF  }
0xd8: {  	_ =	shalt  }

// kernel: kernel.7.cloned.1.call-start
scs
__scs_entry_jumppad:
0x0: {  	(pc) =	sbr.rel $0x88, $3  }
0x1: {  	(tag) =	ssettag $0x0;
	lr =	simm.s32 $0x1  }
0x2: {  	[smem:$0x3F9D] =	sst lr;
	_ =	strace $0xD0000000  }
0x3: {  	_ = 	snop  }
0x4: {  	_ = 	snop  }
0x5: {  	_ = 	snop  }
0x6: {  	_ = 	snop  }
0x7: {  	_ = 	snop  }
__scs_overlays_trampoline_lowered:
0x8: {  	[smem:$0x3FAC] =	sst s0  }
0x9: {  	[smem:$0x3FAD] =	sst s1  }
0xa: {  	[smem:$0x3FAE] =	sst s2  }
0xb: {  	[smem:$0x3FAF] =	sst s3  }
0xc: {  	[smem:$0x3FB0] =	sst s4  }
0xd: {  	[smem:$0x3FB1] =	sst s5  }
0xe: {  	[smem:$0x3FB2] =	sst s6  }
0xf: {  	[smem:$0x3FB3] =	sst s7  }
0x10: {  	[smem:$0x3FB4] =	sst s8  }
0x11: {  	[smem:$0x3FB5] =	sst s9;
	s0 =	simm.s32 @!p0 $0x0  }
0x12: {  	s1 =	sld [smem:$0x3F9B];
	s0 =	simm.s32 @p0 $0x1  }
0x13: {  	[smem:$0x3FB6] =	sst s0;
	s0 =	simm.s32 @!p1 $0x0  }
0x14: {  	s2 =	sld [smem:$0x3F9A];
	s0 =	simm.s32 @p1 $0x1  }
0x15: {  	[smem:$0x3FB7] =	sst s0;
	s0 =	simm.s32 @!p2 $0x0  }
0x16: {  	s3 =	sld [smem:$0x3FDB];
	s0 =	simm.s32 @p2 $0x1  }
0x17: {  	s4 =	simm.s32 $0x1BF5;
	[smem:$0x3FB9] =	sst s0  }
0x18: {  	s0 =	sld [smem:$0x3F9C];
	_ =	swait.ge [sflag:s4], $0x0  }
0x19: {  	s7 =	sld [smem:$0x3F9D]  }
0x1a: {  	s8 =	sadd.s32 $0xFFFFE003, lr  }
0x1b: {  	s9 =	sadd.s32 $0xFFFFFEF7, lr;
	s5 =	simm.s32 $0xFFFFFFFF;
	p2 =	slt.u32 s8, $0xFFFFF086  }
0x1c: {  	p1 =	slt.u32 s9, $0xF7A;
	s5 =	simm.s32 @!p2 $0x0  }
0x1d: {  	s5 =	simm.s32 @p1 $0x1;
	p0 =	seq.s32 s7, s2  }
0x1e: {  	s7 =	smul.u32 @!p0 $0xF7A, s2;
	p2 =	seq.s32 @!p0 s5, $0x0  }
0x1f: {  	s9 =	smul.u32 $0xF7A, s1;
	s8 =	simm.s32 @!p0 $0x1BF5;
	p2 =	por !p2, p0  }
0x20: {  	[sflag:s8] =	ssyncset.s32 @!p0 $0xFFFFF086;
	s6 =	sadd.s32 @!p0 s3, s7;
	s7 =	simm.s32 @!p0 $0x108  }
0x21: {  	s3 =	sadd.s32 s3, s9;
	s6 =	sadd.s32 @!p0 $0x88, s6;
	s7 =	simm.s32 @p2 $0x1082  }
0x22: {  	[simem:s7], [sflag:s8] =	dma.local @!p0 [hbm:s6], $0xF7A  }
0x23: {  	s9 =	sor.u32 $0xD0000000, s2;
	s6 =	simm.s32 $0x108;
	_ =	swait.ge @!p0 [sflag:s8], $0x0  }
0x24: {  	s3 =	sadd.s32 $0x88, s3;
	s6 =	simm.s32 @!p1 $0x1082;
	[sflag:s4] =	ssyncset.s32 $0xFFFFF086  }
0x25: {  	[simem:s6], [sflag:s4] =	dma.local [hbm:s3], $0xF7A  }
0x26: {  	[smem:$0x3F9D] =	sst s1;
	(tag) =	ssettag s2;
	_ =	strace s9  }
0x27: {  	s1 =	sld [smem:$0x3FAD]  }
0x28: {  	s2 =	sld [smem:$0x3FAE]  }
0x29: {  	s4 =	sld [smem:$0x3FB0]  }
0x2a: {  	p0 =	seq.s32 s5, $0x0;
	s5 =	sld [smem:$0x3FB1]  }
0x2b: {  	s6 =	sld [smem:$0x3FB2]  }
0x2c: {  	s7 =	sld [smem:$0x3FB3]  }
0x2d: {  	s3 =	simm.s32 $0x108;
	s8 =	sld [smem:$0x3FB4]  }
0x2e: {  	s3 =	simm.s32 @!p0 $0x1082;
	s9 =	sld [smem:$0x3FB5]  }
0x2f: {  	lr =	sadd.s32 s0, s3;
	s0 =	sld [smem:$0x3FAC]  }
0x30: {  	s3 =	sld [smem:$0x3FAF]  }
0x31: {  	[smem:$0x3FB8] =	sst s10  }
0x32: {  	s10 =	sld [smem:$0x3FB6];
	_ =	sdelay $0x3  }
0x33: {  	p0 =	seq.s32 s10, $0x1;
	s10 =	sld [smem:$0x3FB8];
	_ =	sdelay $0x3  }
0x34: {  	[smem:$0x3FB8] =	sst s10  }
0x35: {  	s10 =	sld [smem:$0x3FB7];
	_ =	sdelay $0x3  }
0x36: {  	p1 =	seq.s32 s10, $0x1;
	s10 =	sld [smem:$0x3FB8];
	_ =	sdelay $0x3  }
0x37: {  	[smem:$0x3FB8] =	sst s10  }
0x38: {  	s10 =	sld [smem:$0x3FB9]  }
0x39: {  	_ = 	snop;
	(pc) =	sbr.ind lr, $3  }
0x3a: {  	_ = 	snop  }
0x3b: {  	_ = 	snop  }
0x3c: {  	p2 =	seq.s32 s10, $0x1;
	s10 =	sld [smem:$0x3FB8]  }
0x3d: {  	_ =	shalt  }
0x3e: {  	_ =	shalt  }
0x3f: {  	_ =	shalt  }
0x40: {  	_ =	shalt  }
0x41: {  	_ =	shalt  }
0x42: {  	_ =	shalt  }
0x43: {  	_ =	shalt  }
0x44: {  	_ =	shalt  }
0x45: {  	_ =	shalt  }
0x46: {  	_ =	shalt  }
0x47: {  	_ =	shalt  }
0x48: {  	_ =	shalt  }
0x49: {  	_ =	shalt  }
0x4a: {  	_ =	shalt  }
0x4b: {  	_ =	shalt  }
0x4c: {  	_ =	shalt  }
0x4d: {  	_ =	shalt  }
0x4e: {  	_ =	shalt  }
0x4f: {  	_ =	shalt  }
0x50: {  	_ =	shalt  }
0x51: {  	_ =	shalt  }
0x52: {  	_ =	shalt  }
0x53: {  	_ =	shalt  }
0x54: {  	_ =	shalt  }
0x55: {  	_ =	shalt  }
0x56: {  	_ =	shalt  }
0x57: {  	_ =	shalt  }
0x58: {  	_ =	shalt  }
0x59: {  	_ =	shalt  }
0x5a: {  	_ =	shalt  }
0x5b: {  	_ =	shalt  }
0x5c: {  	_ =	shalt  }
0x5d: {  	_ =	shalt  }
0x5e: {  	_ =	shalt  }
0x5f: {  	_ =	shalt  }
0x60: {  	_ =	shalt  }
0x61: {  	_ =	shalt  }
0x62: {  	_ =	shalt  }
0x63: {  	_ =	shalt  }
0x64: {  	_ =	shalt  }
0x65: {  	_ =	shalt  }
0x66: {  	_ =	shalt  }
0x67: {  	_ =	shalt  }
0x68: {  	_ =	shalt  }
0x69: {  	_ =	shalt  }
0x6a: {  	_ =	shalt  }
0x6b: {  	_ =	shalt  }
0x6c: {  	_ =	shalt  }
0x6d: {  	_ =	shalt  }
0x6e: {  	_ =	shalt  }
0x6f: {  	_ =	shalt  }
0x70: {  	_ =	shalt  }
0x71: {  	_ =	shalt  }
0x72: {  	_ =	shalt  }
0x73: {  	_ =	shalt  }
0x74: {  	_ =	shalt  }
0x75: {  	_ =	shalt  }
0x76: {  	_ =	shalt  }
0x77: {  	_ =	shalt  }
0x78: {  	_ =	shalt  }
0x79: {  	_ =	shalt  }
0x7a: {  	_ =	shalt  }
0x7b: {  	_ =	shalt  }
0x7c: {  	_ =	shalt  }
0x7d: {  	_ =	shalt  }
0x7e: {  	_ =	shalt  }
0x7f: {  	_ =	shalt  }
0x80: {  	_ =	shalt  }
0x81: {  	_ =	shalt  }
0x82: {  	_ =	shalt  }
0x83: {  	_ =	shalt  }
0x84: {  	_ =	shalt  }
0x85: {  	_ =	shalt  }
0x86: {  	_ =	shalt  }
0x87: {  	_ =	shalt  }
.Lfunc_end0:
.L_simem_size_0:
called_computation_lowered:
.L_overlay_start_0:
0x88: {  	s2 =	sld [smem:$0x3FD9]  }
0x89: {  	s3 =	sld [smem:$0x3FFE];
	_ =	sdelay $0x1  }
0x8a: {  	s1 =	srdreg.scid  }
0x8b: {  	s0 =	sand.u32 $0x1, s1  }
0x8c: {  	s17 =	sshll.u32 s0, $0xA;
	s2 =	sadd.s32 s3, s2  }
0x8d: {  	s2 =	sadd.s32 s2, s17  }
0x8e: {  	[smem:$0x3FC4] =	sst s2  }
0x8f: {  	_ = 	snop  }
0x90: {  	s2 =	sld [smem:$0x3FD0];
	(tm) =	ssettm $0x1  }
0x91: {  	s18 =	sld [smem:$0x3FFB];
	_ =	sdelay $0x3  }
0x92: {  	_ =	strace s18  }
0x93: {  	s3 =	sld [smem:$0x3FFC];
	_ =	sdelay $0x3  }
0x94: {  	_ =	strace s3  }
0x95: {  	s3 =	sld [smem:$0x3FFD];
	_ =	sdelay $0x3  }
0x96: {  	_ =	strace s3  }
0x97: {  	_ =	strace $0x8FFFFFFF  }
0x98: {  	s19 =	sld [smem:$0x3FDB];
	_ =	sdelay $0x1  }
0x99: {  	s4 =	simm.s32 $_scs_section_size  }
0x9a: {  	s5 =	simm.s32 $_size__tile_overlayer_lowered;
	s6 =	simm.s32 $_tile_overlayer_lowered  }
0x9b: {  	s22 =	simm.s32 $0x1BFF;
	s21 =	sshll.u32 s6, $0x1;
	s3 =	sadd.s32 s4, s19  }
0x9c: {  	s7 =	simm.s32 $0x0;
	s20 =	sshll.u32 s5, $0x1;
	s5 =	sadd.s32 s21, s3  }
0x9d: {  	[timem:s7], [sflag:s22] =	dma.local [hbm:s5], s20  }
0x9e: {  	_ =	swait.ge [sflag:s22], s20  }
0x9f: {  	s4 =	ssub.s32 $0x0, s20;
	[sflag:s22] =	ssyncset.done $0x0  }
0xa0: {  	[sflag:s22] =	ssyncadd.s32 s4;
	_ =	sdelay $0x1  }
0xa1: {  	s23 =	simm.s32 $0x1B8B  }
0xa2: {  	_ =	swait.ge [sflag:s23], $0x1  }
0xa3: {  	[sflag:s23] =	ssyncset.done $0x0  }
0xa4: {  	s25 =	simm.s32 $0x1B8E;
	s24 =	sld [smem:$0x3FFE];
	[sflag:s23] =	ssyncadd.s32 $0xFFFFFFFF  }
0xa5: {  	s26 =	simm.s32 $execute0_lowered;
	[smem:$0x3FD2] =	sst s25  }
0xa6: {  	s5 =	sshll.u32 s26, $0x1;
	_ =	strace $0x80000046;
	[dreg:$0x1] =	wrdreg $0xFFFFFFFF  }
0xa7: {  	s28 =	simm.s32 $_size_execute0_lowered;
	s3 =	sadd.s32 s3, s5;
	[dreg:$0x0] =	wrdreg $0x0  }
0xa8: {  	s5 =	sshll.u32 s28, $0x1;
	[dreg:$0x2] =	wrdreg s3  }
0xa9: {  	[dreg:$0x3] =	wrdreg s5  }
0xaa: {  	[dreg:$0x4] =	wrdreg $0xC0  }
0xab: {  	_ =	task [dreg:s7], $0x5FFFF  }
0xac: {  	[dreg:$0x1] =	wrdreg $0xFFFFFFFF  }
0xad: {  	[dreg:$0x0] =	wrdreg $0x60  }
0xae: {  	[dreg:$0x2] =	wrdreg s2  }
0xaf: {  	[dreg:$0x3] =	wrdreg s24  }
0xb0: {  	[dreg:$0x4] =	wrdreg $0x38000  }
0xb1: {  	[dreg:$0x5] =	wrdreg $0x9  }
0xb2: {  	_ =	task.clear_ibuf [dreg:s7], $0x6FFFF;
	_ =	strace $0x90000046  }
0xb3: {  	s29 =	simm.s32 $0x9;
	_ =	strace $0x80000048  }
0xb4: {  	_ =	swait.ge [sflag:s29], $0x1  }
0xb5: {  	[sflag:s29] =	ssyncadd.s32 $0xFFFFFFFF  }
0xb6: {  	_ =	strace $0x90000048  }
0xb7: {  	_ =	sfence  }
0xb8: {  	s30 =	sld [smem:$0x0];
	_ =	sdelay $0x2  }
0xb9: {  	s31 =	sshll.u32 s1, $0xD;
	s1 =	sshrl.u32 s1, $0x2  }
0xba: {  	s3 =	sand.u32 $0x4000, s31;
	s1 =	sadd.s32 s1, s30  }
0xbb: {  	s0 =	sor.u32 s3, s0;
	s1 =	sshll.u32 s1, $0x11  }
0xbc: {  	s0 =	sor.u32 s1, s0  }
0xbd: {  	s0 =	sadd.s32 $0x8F2B, s0  }
0xbe: {  	[sflag:s0] =	ssyncadd.remote.s32 $0x1  }
0xbf: {  	_ =	sfence.sel $0xFFFF  }
0xc0: {  	[dreg:$0x0] =	wrdreg $0xFFFFFFFF;
	(pc) =	sbr.abs _section_cstart, $3  }
0xc1: {  	[dreg:$0x1] =	wrdreg $0xFFFFFFFF  }
0xc2: {  	_ =	task.clear_ibuf [dreg:s7], $0x2FFFF;
	_ =	strace $0x9FFFFFFF  }
0xc3: {  	(tm) =	ssettm $0x7FFFFFFF  }
tec
execute0_lowered:
.L_overlay_start_1:
0x0: {  	(tag) =	ssettag $0x1  }
0x1: {  	s0 =	rddreg [dreg:$0x0]  }
0x2: {  	s2 =	rddreg [dreg:$0x1]  }
0x3: {  	s1 =	rddreg [dreg:$0x2];
	s3 =	srdreg.scid  }
0x4: {  	s12 =	stileid.u32;
	s24 =	simm.s32 $0x2880;
	s26 =	simm.s32 $0x2900  }
0x5: {  	s28 =	simm.s32 $0x2E80;
	s29 =	simm.s32 $0x2F00;
	s30 =	simm.s32 $0x2F80  }
0x6: {  	s31 =	simm.s32 $0x3000;
	s4 =	sand.u32 $0x1, s3;
	s6 =	smul.u32 $0x14000, s12  }
0x7: {  	s3 =	simm.s32 $0x0;
	s7 =	sadd.s32 $0x1E00, s2;
	s11 =	smul.u32 $0x50000, s12  }
0x8: {  	s10 =	sadd.s32 $0x1600, s2;
	s9 =	smul.u32 $0x5000, s12;
	s19 =	sshll.u32 s12, $0x6  }
0x9: {  	s12 =	simm.s32 $0x3380;
	s5 =	smul.u32 $0x140000, s4;
	[smem:$0x7FF] =	sst s3  }
0xa: {  	s13 =	ssub.s32 $0x2, s4;
	_ =	strace $0x80000047;
	[dreg:$0x7] =	wrdreg s7  }
0xb: {  	s4 =	smul.u32 $0x50000, s4;
	s17 =	sor.u32 $0x1C02, s19;
	[dreg:$0x8] =	wrdreg s10  }
0xc: {  	s19 =	simm.s32 $0x2A80;
	s8 =	sshrl.u32 s13, $0x1;
	[dreg:$0x5] =	wrdreg s24  }
0xd: {  	[dreg:$0x6] =	wrdreg s26;
	s24 =	simm.s32 $0x2D00;
	s26 =	simm.s32 $0x2E00  }
0xe: {  	s7 =	simm.s32 $0x3280;
	[dreg:$0xb] =	wrdreg s17;
	s5 =	sadd.s32 s6, s5  }
0xf: {  	s6 =	sshrl.u32 s11, $0x2;
	s14 =	ssub.s32 s13, s8;
	s4 =	sadd.s32 s9, s4  }
0x10: {  	s8 =	simm.s32 $0x2;
	s13 =	simm.s32 $0x3400;
	s5 =	sshrl.u32 s5, $0x3  }
0x11: {  	s6 =	sadd.s32 s6, s1;
	s4 =	sshrl.u32 s4, $0x3;
	s18 =	smax.u32 s14, $0x1  }
0x12: {  	s14 =	simm.s32 $0x1;
	s2 =	sadd.s32 s5, s2;
	s15 =	sadd.s32 $0x4000, s6  }
0x13: {  	s10 =	sadd.s32 $0x8000, s6;
	s16 =	sadd.s32 $0xC000, s6;
	s11 =	sadd.s32 $0x10000, s6  }
0x14: {  	[dreg:$0xa] =	wrdreg s18;
	s0 =	sadd.s32 s4, s0;
	s20 =	sshrl.u32 s6, $0x3  }
0x15: {  	s18 =	simm.s32 $0x2A00;
	s4 =	simm.s32 $0x3180;
	s6 =	simm.s32 $0x3200  }
0x16: {  	s2 =	sadd.s32 $0x2400, s2;
	[dreg:$0x4] =	wrdreg s0;
	s21 =	sshrl.u32 s15, $0x3  }
0x17: {  	s22 =	sshrl.u32 s10, $0x3;
	s23 =	sshrl.u32 s16, $0x3;
	[dreg:$0x9] =	wrdreg s2  }
0x18: {  	s9 =	smov.u32 s20;
	s25 =	sshrl.u32 s11, $0x3;
	[dreg:$0xd] =	wrdreg s21  }
0x19: {  	s15 =	simm.s32 $0x2800;
	s16 =	simm.s32 $0x50;
	[dreg:$0xe] =	wrdreg s22  }
0x1a: {  	s20 =	simm.s32 $0x2B00;
	s0 =	simm.s32 $0x3080;
	[dreg:$0xf] =	wrdreg s23  }
0x1b: {  	s11 =	simm.s32 $0x3300;
	s10 =	simm.s32 $0x0;
	[dreg:$0x10] =	wrdreg s25  }
0x1c: {  	s21 =	simm.s32 $0x2B80;
	s22 =	simm.s32 $0x2C00;
	s23 =	simm.s32 $0x2C80  }
0x1d: {  	s25 =	simm.s32 $0x2D80;
	s2 =	simm.s32 $0x3100;
	[dreg:$0xc] =	wrdreg s9  }
.LBB2_1:
0x1e: {  	[dreg:$0x11] =	wrdreg s10  }
0x1f: {  	s5 =	rddreg [dreg:$0x7]  }
0x20: {  	[tilespmem:s3], [sflag:$0x2] =	stream.linear.gather [hbm4b:s5+s3], $0x2800, $0x38;
	[tilespmem:$0x17800] =	vst v63  }
0x21: {  	_ =	swait.ge [sflag:s8], $0x2800  }
0x22: {  	[sflag:s8] =	ssyncset.done $0x0  }
0x23: {  	s5 =	rddreg [dreg:$0x8];
	[sflag:s8] =	ssyncadd.s32 $0xFFFFD800  }
0x24: {  	[spmem:s9], [sflag:s17] =	dma.local [hbm:s5], $0x800  }
0x25: {  	_ =	swait.ge [sflag:s8], $0x800  }
0x26: {  	[sflag:s8] =	ssyncset.done $0x0  }
0x27: {  	s10 =	rddreg [dreg:$0xd];
	[sflag:s8] =	ssyncadd.s32 $0xFFFFF800  }
0x28: {  	[spmem:s10], [sflag:s17] =	dma.local [hbm:s5], $0x800  }
0x29: {  	_ =	swait.ge [sflag:s8], $0x800  }
0x2a: {  	[sflag:s8] =	ssyncset.done $0x0  }
0x2b: {  	s10 =	rddreg [dreg:$0xe];
	[sflag:s8] =	ssyncadd.s32 $0xFFFFF800  }
0x2c: {  	[spmem:s10], [sflag:s17] =	dma.local [hbm:s5], $0x800  }
0x2d: {  	_ =	swait.ge [sflag:s8], $0x800  }
0x2e: {  	[sflag:s8] =	ssyncset.done $0x0  }
0x2f: {  	s10 =	rddreg [dreg:$0xf];
	[sflag:s8] =	ssyncadd.s32 $0xFFFFF800  }
0x30: {  	[spmem:s10], [sflag:s17] =	dma.local [hbm:s5], $0x800  }
0x31: {  	_ =	swait.ge [sflag:s8], $0x800  }
0x32: {  	[sflag:s8] =	ssyncset.done $0x0  }
0x33: {  	s10 =	rddreg [dreg:$0x10];
	[sflag:s8] =	ssyncadd.s32 $0xFFFFF800  }
0x34: {  	[spmem:s10], [sflag:s17] =	dma.local [hbm:s5], $0x800  }
0x35: {  	_ =	swait.ge [sflag:s8], $0x800  }
0x36: {  	[sflag:s8] =	ssyncset.done $0x0  }
0x37: {  	[sflag:s8] =	ssyncadd.s32 $0xFFFFF800  }
0x38: {  	[bflag:$0x0] =	sbarrier.arrive $0xFFFF  }
0x39: {  	s17 =	rddreg [dreg:$0x4]  }
0x3a: {  	s5 =	sadd.s32 $0x0, s17  }
0x3b: {  	[tilespmem:s15], [sflag:$0x2] =	stream.linear.gather [hbm4b:s5+s3], $0xC80, $0x38;
	[tilespmem:$0x17800] =	vst v63  }
0x3c: {  	_ =	swait.ge [sflag:s8], $0xC80  }
0x3d: {  	[sflag:s8] =	ssyncset.done $0x0  }
0x3e: {  	[sflag:s8] =	ssyncadd.s32 $0xFFFFF380  }
0x3f: {  	[spmem:s1] =	stream.indirect.scatter.add.f32 [tilespmem:s3], [sflag:$0x1], $0x80, s15, s16, $0xb8;
	[tilespmem:$0x17800] =	vst v63  }
0x40: {  	s9 =	rddreg [dreg:$0x5]  }
0x41: {  	[spmem:s1] =	stream.indirect.scatter.add.f32 [tilespmem:s3], [sflag:$0x1], $0x80, s9, s16, $0xb8;
	[tilespmem:$0x17800] =	vst v63  }
0x42: {  	s10 =	rddreg [dreg:$0x6]  }
0x43: {  	[spmem:s1] =	stream.indirect.scatter.add.f32 [tilespmem:s3], [sflag:$0x1], $0x80, s10, s16, $0xb8;
	[tilespmem:$0x17800] =	vst v63  }
0x44: {  	s17 =	simm.s32 $0x2980  }
0x45: {  	[spmem:s1] =	stream.indirect.scatter.add.f32 [tilespmem:s3], [sflag:$0x1], $0x80, s17, s16, $0xb8;
	[tilespmem:$0x17800] =	vst v63  }
0x46: {  	_ = 	snop  }
0x47: {  	[spmem:s1] =	stream.indirect.scatter.add.f32 [tilespmem:s3], [sflag:$0x1], $0x80, s18, s16, $0xb8;
	[tilespmem:$0x17800] =	vst v63  }
0x48: {  	_ = 	snop  }
0x49: {  	[spmem:s1] =	stream.indirect.scatter.add.f32 [tilespmem:s3], [sflag:$0x1], $0x80, s19, s16, $0xb8;
	[tilespmem:$0x17800] =	vst v63  }
0x4a: {  	_ = 	snop  }
0x4b: {  	[spmem:s1] =	stream.indirect.scatter.add.f32 [tilespmem:s3], [sflag:$0x1], $0x80, s20, s16, $0xb8;
	[tilespmem:$0x17800] =	vst v63  }
0x4c: {  	_ = 	snop  }
0x4d: {  	[spmem:s1] =	stream.indirect.scatter.add.f32 [tilespmem:s3], [sflag:$0x1], $0x80, s21, s16, $0xb8;
	[tilespmem:$0x17800] =	vst v63  }
0x4e: {  	_ = 	snop  }
0x4f: {  	[spmem:s1] =	stream.indirect.scatter.add.f32 [tilespmem:s3], [sflag:$0x1], $0x80, s22, s16, $0xb8;
	[tilespmem:$0x17800] =	vst v63  }
0x50: {  	_ = 	snop  }
0x51: {  	[spmem:s1] =	stream.indirect.scatter.add.f32 [tilespmem:s3], [sflag:$0x1], $0x80, s23, s16, $0xb8;
	[tilespmem:$0x17800] =	vst v63  }
0x52: {  	_ = 	snop  }
0x53: {  	[spmem:s1] =	stream.indirect.scatter.add.f32 [tilespmem:s3], [sflag:$0x1], $0x80, s24, s16, $0xb8;
	[tilespmem:$0x17800] =	vst v63  }
0x54: {  	_ = 	snop  }
0x55: {  	[spmem:s1] =	stream.indirect.scatter.add.f32 [tilespmem:s3], [sflag:$0x1], $0x80, s25, s16, $0xb8;
	[tilespmem:$0x17800] =	vst v63  }
0x56: {  	_ = 	snop  }
0x57: {  	[spmem:s1] =	stream.indirect.scatter.add.f32 [tilespmem:s3], [sflag:$0x1], $0x80, s26, s16, $0xb8;
	[tilespmem:$0x17800] =	vst v63  }
0x58: {  	_ = 	snop  }
0x59: {  	[spmem:s1] =	stream.indirect.scatter.add.f32 [tilespmem:s3], [sflag:$0x1], $0x80, s28, s16, $0xb8;
	[tilespmem:$0x17800] =	vst v63  }
0x5a: {  	_ = 	snop  }
0x5b: {  	[spmem:s1] =	stream.indirect.scatter.add.f32 [tilespmem:s3], [sflag:$0x1], $0x80, s29, s16, $0xb8;
	[tilespmem:$0x17800] =	vst v63  }
0x5c: {  	_ = 	snop  }
0x5d: {  	[spmem:s1] =	stream.indirect.scatter.add.f32 [tilespmem:s3], [sflag:$0x1], $0x80, s30, s16, $0xb8;
	[tilespmem:$0x17800] =	vst v63  }
0x5e: {  	_ = 	snop  }
0x5f: {  	[spmem:s1] =	stream.indirect.scatter.add.f32 [tilespmem:s3], [sflag:$0x1], $0x80, s31, s16, $0xb8;
	[tilespmem:$0x17800] =	vst v63  }
0x60: {  	_ = 	snop  }
0x61: {  	[spmem:s1] =	stream.indirect.scatter.add.f32 [tilespmem:s3], [sflag:$0x1], $0x80, s0, s16, $0xb8;
	[tilespmem:$0x17800] =	vst v63  }
0x62: {  	_ = 	snop  }
0x63: {  	[spmem:s1] =	stream.indirect.scatter.add.f32 [tilespmem:s3], [sflag:$0x1], $0x80, s2, s16, $0xb8;
	[tilespmem:$0x17800] =	vst v63  }
0x64: {  	_ = 	snop  }
0x65: {  	[spmem:s1] =	stream.indirect.scatter.add.f32 [tilespmem:s3], [sflag:$0x1], $0x80, s4, s16, $0xb8;
	[tilespmem:$0x17800] =	vst v63  }
0x66: {  	_ = 	snop  }
0x67: {  	[spmem:s1] =	stream.indirect.scatter.add.f32 [tilespmem:s3], [sflag:$0x1], $0x80, s6, s16, $0xb8;
	[tilespmem:$0x17800] =	vst v63  }
0x68: {  	_ = 	snop  }
0x69: {  	[spmem:s1] =	stream.indirect.scatter.add.f32 [tilespmem:s3], [sflag:$0x1], $0x80, s7, s16, $0xb8;
	[tilespmem:$0x17800] =	vst v63  }
0x6a: {  	_ = 	snop  }
0x6b: {  	[spmem:s1] =	stream.indirect.scatter.add.f32 [tilespmem:s3], [sflag:$0x1], $0x80, s11, s16, $0xb8;
	[tilespmem:$0x17800] =	vst v63  }
0x6c: {  	_ = 	snop  }
0x6d: {  	[spmem:s1] =	stream.indirect.scatter.add.f32 [tilespmem:s3], [sflag:$0x1], $0x80, s12, s16, $0xb8;
	[tilespmem:$0x17800] =	vst v63  }
0x6e: {  	_ = 	snop  }
0x6f: {  	[spmem:s1] =	stream.indirect.scatter.add.f32 [tilespmem:s3], [sflag:$0x1], $0x80, s13, s16, $0xb8;
	[tilespmem:$0x17800] =	vst v63  }
0x70: {  	_ =	swait.ge [sflag:s14], $0x2800  }
0x71: {  	[sflag:s14] =	ssyncset.done $0x0  }
0x72: {  	[sflag:s14] =	ssyncadd.s32 $0xFFFFD800  }
0x73: {  	_ =	swait.ge [sflag:s14], $0x2800  }
0x74: {  	[sflag:s14] =	ssyncset.done $0x0  }
0x75: {  	[sflag:s14] =	ssyncadd.s32 $0xFFFFD800  }
0x76: {  	_ =	swait.ge [sflag:s14], $0x2800  }
0x77: {  	[sflag:s14] =	ssyncset.done $0x0  }
0x78: {  	[sflag:s14] =	ssyncadd.s32 $0xFFFFD800  }
0x79: {  	_ =	swait.ge [sflag:s14], $0x2800  }
0x7a: {  	[sflag:s14] =	ssyncset.done $0x0  }
0x7b: {  	[sflag:s14] =	ssyncadd.s32 $0xFFFFD800  }
0x7c: {  	_ =	swait.ge [sflag:s14], $0x2800  }
0x7d: {  	[sflag:s14] =	ssyncset.done $0x0  }
0x7e: {  	[sflag:s14] =	ssyncadd.s32 $0xFFFFD800  }
0x7f: {  	_ =	swait.ge [sflag:s14], $0x2800  }
0x80: {  	[sflag:s14] =	ssyncset.done $0x0  }
0x81: {  	[sflag:s14] =	ssyncadd.s32 $0xFFFFD800  }
0x82: {  	_ =	swait.ge [sflag:s14], $0x2800  }
0x83: {  	[sflag:s14] =	ssyncset.done $0x0  }
0x84: {  	[sflag:s14] =	ssyncadd.s32 $0xFFFFD800  }
0x85: {  	_ =	swait.ge [sflag:s14], $0x2800  }
0x86: {  	[sflag:s14] =	ssyncset.done $0x0  }
0x87: {  	[sflag:s14] =	ssyncadd.s32 $0xFFFFD800  }
0x88: {  	_ =	swait.ge [sflag:s14], $0x2800  }
0x89: {  	[sflag:s14] =	ssyncset.done $0x0  }
0x8a: {  	[sflag:s14] =	ssyncadd.s32 $0xFFFFD800  }
0x8b: {  	_ =	swait.ge [sflag:s14], $0x2800  }
0x8c: {  	[sflag:s14] =	ssyncset.done $0x0  }
0x8d: {  	[sflag:s14] =	ssyncadd.s32 $0xFFFFD800  }
0x8e: {  	_ =	swait.ge [sflag:s14], $0x2800  }
0x8f: {  	[sflag:s14] =	ssyncset.done $0x0  }
0x90: {  	[sflag:s14] =	ssyncadd.s32 $0xFFFFD800  }
0x91: {  	_ =	swait.ge [sflag:s14], $0x2800  }
0x92: {  	[sflag:s14] =	ssyncset.done $0x0  }
0x93: {  	[sflag:s14] =	ssyncadd.s32 $0xFFFFD800  }
0x94: {  	_ =	swait.ge [sflag:s14], $0x2800  }
0x95: {  	[sflag:s14] =	ssyncset.done $0x0  }
0x96: {  	[sflag:s14] =	ssyncadd.s32 $0xFFFFD800  }
0x97: {  	_ =	swait.ge [sflag:s14], $0x2800  }
0x98: {  	[sflag:s14] =	ssyncset.done $0x0  }
0x99: {  	[sflag:s14] =	ssyncadd.s32 $0xFFFFD800  }
0x9a: {  	_ =	swait.ge [sflag:s14], $0x2800  }
0x9b: {  	[sflag:s14] =	ssyncset.done $0x0  }
0x9c: {  	[sflag:s14] =	ssyncadd.s32 $0xFFFFD800  }
0x9d: {  	_ =	swait.ge [sflag:s14], $0x2800  }
0x9e: {  	[sflag:s14] =	ssyncset.done $0x0  }
0x9f: {  	[sflag:s14] =	ssyncadd.s32 $0xFFFFD800  }
0xa0: {  	_ =	swait.ge [sflag:s14], $0x2800  }
0xa1: {  	[sflag:s14] =	ssyncset.done $0x0  }
0xa2: {  	[sflag:s14] =	ssyncadd.s32 $0xFFFFD800  }
0xa3: {  	_ =	swait.ge [sflag:s14], $0x2800  }
0xa4: {  	[sflag:s14] =	ssyncset.done $0x0  }
0xa5: {  	[sflag:s14] =	ssyncadd.s32 $0xFFFFD800  }
0xa6: {  	_ =	swait.ge [sflag:s14], $0x2800  }
0xa7: {  	[sflag:s14] =	ssyncset.done $0x0  }
0xa8: {  	[sflag:s14] =	ssyncadd.s32 $0xFFFFD800  }
0xa9: {  	_ =	swait.ge [sflag:s14], $0x2800  }
0xaa: {  	[sflag:s14] =	ssyncset.done $0x0  }
0xab: {  	[sflag:s14] =	ssyncadd.s32 $0xFFFFD800  }
0xac: {  	_ =	swait.ge [sflag:s14], $0x2800  }
0xad: {  	[sflag:s14] =	ssyncset.done $0x0  }
0xae: {  	[sflag:s14] =	ssyncadd.s32 $0xFFFFD800  }
0xaf: {  	_ =	swait.ge [sflag:s14], $0x2800  }
0xb0: {  	[sflag:s14] =	ssyncset.done $0x0  }
0xb1: {  	[sflag:s14] =	ssyncadd.s32 $0xFFFFD800  }
0xb2: {  	_ =	swait.ge [sflag:s14], $0x2800  }
0xb3: {  	[sflag:s14] =	ssyncset.done $0x0  }
0xb4: {  	[sflag:s14] =	ssyncadd.s32 $0xFFFFD800  }
0xb5: {  	_ =	swait.ge [sflag:s14], $0x2800  }
0xb6: {  	[sflag:s14] =	ssyncset.done $0x0  }
0xb7: {  	[sflag:s14] =	ssyncadd.s32 $0xFFFFD800  }
0xb8: {  	s5 =	simm.s32 $0x200;
	_ =	swait.ge [sflag:s14], $0x2800  }
0xb9: {  	s9 =	simm.s32 $0x400;
	s10 =	rddreg [dreg:$0x4];
	[sflag:s14] =	ssyncset.done $0x0  }
.LBB2_2:
0xba: {  	[sflag:s14] =	ssyncadd.s32 $0xFFFFD800;
	s10 =	sadd.s32 s5, s10  }
0xbb: {  	[tilespmem:s15], [sflag:$0x2] =	stream.linear.gather [hbm4b:s10+s3], $0xC80, $0x38;
	[tilespmem:$0x17800] =	vst v63  }
0xbc: {  	_ =	swait.ge [sflag:s8], $0xC80  }
0xbd: {  	[sflag:s8] =	ssyncset.done $0x0  }
0xbe: {  	[sflag:s8] =	ssyncadd.s32 $0xFFFFF380  }
0xbf: {  	[spmem:s1] =	stream.indirect.scatter.add.f32 [tilespmem:s3], [sflag:$0x1], $0x80, s15, s16, $0xb8;
	[tilespmem:$0x17800] =	vst v63  }
0xc0: {  	s17 =	smov.u32 s9;
	s10 =	rddreg [dreg:$0x5]  }
0xc1: {  	[spmem:s1] =	stream.indirect.scatter.add.f32 [tilespmem:s3], [sflag:$0x1], $0x80, s10, s16, $0xb8;
	[tilespmem:$0x17800] =	vst v63  }
0xc2: {  	s5 =	smov.u32 s17;
	s17 =	rddreg [dreg:$0x6]  }
0xc3: {  	[spmem:s1] =	stream.indirect.scatter.add.f32 [tilespmem:s3], [sflag:$0x1], $0x80, s17, s16, $0xb8;
	[tilespmem:$0x17800] =	vst v63  }
0xc4: {  	s17 =	simm.s32 $0x2980  }
0xc5: {  	[spmem:s1] =	stream.indirect.scatter.add.f32 [tilespmem:s3], [sflag:$0x1], $0x80, s17, s16, $0xb8;
	[tilespmem:$0x17800] =	vst v63  }
0xc6: {  	_ = 	snop  }
0xc7: {  	[spmem:s1] =	stream.indirect.scatter.add.f32 [tilespmem:s3], [sflag:$0x1], $0x80, s18, s16, $0xb8;
	[tilespmem:$0x17800] =	vst v63  }
0xc8: {  	_ = 	snop  }
0xc9: {  	[spmem:s1] =	stream.indirect.scatter.add.f32 [tilespmem:s3], [sflag:$0x1], $0x80, s19, s16, $0xb8;
	[tilespmem:$0x17800] =	vst v63  }
0xca: {  	_ = 	snop  }
0xcb: {  	[spmem:s1] =	stream.indirect.scatter.add.f32 [tilespmem:s3], [sflag:$0x1], $0x80, s20, s16, $0xb8;
	[tilespmem:$0x17800] =	vst v63  }
0xcc: {  	_ = 	snop  }
0xcd: {  	[spmem:s1] =	stream.indirect.scatter.add.f32 [tilespmem:s3], [sflag:$0x1], $0x80, s21, s16, $0xb8;
	[tilespmem:$0x17800] =	vst v63  }
0xce: {  	_ = 	snop  }
0xcf: {  	[spmem:s1] =	stream.indirect.scatter.add.f32 [tilespmem:s3], [sflag:$0x1], $0x80, s22, s16, $0xb8;
	[tilespmem:$0x17800] =	vst v63  }
0xd0: {  	_ = 	snop  }
0xd1: {  	[spmem:s1] =	stream.indirect.scatter.add.f32 [tilespmem:s3], [sflag:$0x1], $0x80, s23, s16, $0xb8;
	[tilespmem:$0x17800] =	vst v63  }
0xd2: {  	_ = 	snop  }
0xd3: {  	[spmem:s1] =	stream.indirect.scatter.add.f32 [tilespmem:s3], [sflag:$0x1], $0x80, s24, s16, $0xb8;
	[tilespmem:$0x17800] =	vst v63  }
0xd4: {  	_ = 	snop  }
0xd5: {  	[spmem:s1] =	stream.indirect.scatter.add.f32 [tilespmem:s3], [sflag:$0x1], $0x80, s25, s16, $0xb8;
	[tilespmem:$0x17800] =	vst v63  }
0xd6: {  	_ = 	snop  }
0xd7: {  	[spmem:s1] =	stream.indirect.scatter.add.f32 [tilespmem:s3], [sflag:$0x1], $0x80, s26, s16, $0xb8;
	[tilespmem:$0x17800] =	vst v63  }
0xd8: {  	_ = 	snop  }
0xd9: {  	[spmem:s1] =	stream.indirect.scatter.add.f32 [tilespmem:s3], [sflag:$0x1], $0x80, s28, s16, $0xb8;
	[tilespmem:$0x17800] =	vst v63  }
0xda: {  	_ = 	snop  }
0xdb: {  	[spmem:s1] =	stream.indirect.scatter.add.f32 [tilespmem:s3], [sflag:$0x1], $0x80, s29, s16, $0xb8;
	[tilespmem:$0x17800] =	vst v63  }
0xdc: {  	_ = 	snop  }
0xdd: {  	[spmem:s1] =	stream.indirect.scatter.add.f32 [tilespmem:s3], [sflag:$0x1], $0x80, s30, s16, $0xb8;
	[tilespmem:$0x17800] =	vst v63  }
0xde: {  	_ = 	snop  }
0xdf: {  	[spmem:s1] =	stream.indirect.scatter.add.f32 [tilespmem:s3], [sflag:$0x1], $0x80, s31, s16, $0xb8;
	[tilespmem:$0x17800] =	vst v63  }
0xe0: {  	_ = 	snop  }
0xe1: {  	[spmem:s1] =	stream.indirect.scatter.add.f32 [tilespmem:s3], [sflag:$0x1], $0x80, s0, s16, $0xb8;
	[tilespmem:$0x17800] =	vst v63  }
0xe2: {  	_ = 	snop  }
0xe3: {  	[spmem:s1] =	stream.indirect.scatter.add.f32 [tilespmem:s3], [sflag:$0x1], $0x80, s2, s16, $0xb8;
	[tilespmem:$0x17800] =	vst v63  }
0xe4: {  	_ = 	snop  }
0xe5: {  	[spmem:s1] =	stream.indirect.scatter.add.f32 [tilespmem:s3], [sflag:$0x1], $0x80, s4, s16, $0xb8;
	[tilespmem:$0x17800] =	vst v63  }
0xe6: {  	_ = 	snop  }
0xe7: {  	[spmem:s1] =	stream.indirect.scatter.add.f32 [tilespmem:s3], [sflag:$0x1], $0x80, s6, s16, $0xb8;
	[tilespmem:$0x17800] =	vst v63  }
0xe8: {  	_ = 	snop  }
0xe9: {  	[spmem:s1] =	stream.indirect.scatter.add.f32 [tilespmem:s3], [sflag:$0x1], $0x80, s7, s16, $0xb8;
	[tilespmem:$0x17800] =	vst v63  }
0xea: {  	_ = 	snop  }
0xeb: {  	[spmem:s1] =	stream.indirect.scatter.add.f32 [tilespmem:s3], [sflag:$0x1], $0x80, s11, s16, $0xb8;
	[tilespmem:$0x17800] =	vst v63  }
0xec: {  	_ = 	snop  }
0xed: {  	[spmem:s1] =	stream.indirect.scatter.add.f32 [tilespmem:s3], [sflag:$0x1], $0x80, s12, s16, $0xb8;
	[tilespmem:$0x17800] =	vst v63  }
0xee: {  	_ = 	snop  }
0xef: {  	[spmem:s1] =	stream.indirect.scatter.add.f32 [tilespmem:s3], [sflag:$0x1], $0x80, s13, s16, $0xb8;
	[tilespmem:$0x17800] =	vst v63  }
0xf0: {  	_ =	swait.ge [sflag:s14], $0x2800  }
0xf1: {  	[sflag:s14] =	ssyncset.done $0x0  }
0xf2: {  	[sflag:s14] =	ssyncadd.s32 $0xFFFFD800  }
0xf3: {  	_ =	swait.ge [sflag:s14], $0x2800  }
0xf4: {  	[sflag:s14] =	ssyncset.done $0x0  }
0xf5: {  	[sflag:s14] =	ssyncadd.s32 $0xFFFFD800  }
0xf6: {  	_ =	swait.ge [sflag:s14], $0x2800  }
0xf7: {  	[sflag:s14] =	ssyncset.done $0x0  }
0xf8: {  	[sflag:s14] =	ssyncadd.s32 $0xFFFFD800  }
0xf9: {  	_ =	swait.ge [sflag:s14], $0x2800  }
0xfa: {  	[sflag:s14] =	ssyncset.done $0x0  }
0xfb: {  	[sflag:s14] =	ssyncadd.s32 $0xFFFFD800  }
0xfc: {  	_ =	swait.ge [sflag:s14], $0x2800  }
0xfd: {  	[sflag:s14] =	ssyncset.done $0x0  }
0xfe: {  	[sflag:s14] =	ssyncadd.s32 $0xFFFFD800  }
0xff: {  	_ =	swait.ge [sflag:s14], $0x2800  }
0x100: {  	[sflag:s14] =	ssyncset.done $0x0  }
0x101: {  	[sflag:s14] =	ssyncadd.s32 $0xFFFFD800  }
0x102: {  	_ =	swait.ge [sflag:s14], $0x2800  }
0x103: {  	[sflag:s14] =	ssyncset.done $0x0  }
0x104: {  	[sflag:s14] =	ssyncadd.s32 $0xFFFFD800  }
0x105: {  	_ =	swait.ge [sflag:s14], $0x2800  }
0x106: {  	[sflag:s14] =	ssyncset.done $0x0  }
0x107: {  	[sflag:s14] =	ssyncadd.s32 $0xFFFFD800  }
0x108: {  	_ =	swait.ge [sflag:s14], $0x2800  }
0x109: {  	[sflag:s14] =	ssyncset.done $0x0  }
0x10a: {  	[sflag:s14] =	ssyncadd.s32 $0xFFFFD800  }
0x10b: {  	_ =	swait.ge [sflag:s14], $0x2800  }
0x10c: {  	[sflag:s14] =	ssyncset.done $0x0  }
0x10d: {  	[sflag:s14] =	ssyncadd.s32 $0xFFFFD800  }
0x10e: {  	_ =	swait.ge [sflag:s14], $0x2800  }
0x10f: {  	[sflag:s14] =	ssyncset.done $0x0  }
0x110: {  	[sflag:s14] =	ssyncadd.s32 $0xFFFFD800  }
0x111: {  	_ =	swait.ge [sflag:s14], $0x2800  }
0x112: {  	[sflag:s14] =	ssyncset.done $0x0  }
0x113: {  	[sflag:s14] =	ssyncadd.s32 $0xFFFFD800  }
0x114: {  	_ =	swait.ge [sflag:s14], $0x2800  }
0x115: {  	[sflag:s14] =	ssyncset.done $0x0  }
0x116: {  	[sflag:s14] =	ssyncadd.s32 $0xFFFFD800  }
0x117: {  	_ =	swait.ge [sflag:s14], $0x2800  }
0x118: {  	[sflag:s14] =	ssyncset.done $0x0  }
0x119: {  	[sflag:s14] =	ssyncadd.s32 $0xFFFFD800  }
0x11a: {  	_ =	swait.ge [sflag:s14], $0x2800  }
0x11b: {  	[sflag:s14] =	ssyncset.done $0x0  }
0x11c: {  	[sflag:s14] =	ssyncadd.s32 $0xFFFFD800  }
0x11d: {  	_ =	swait.ge [sflag:s14], $0x2800  }
0x11e: {  	[sflag:s14] =	ssyncset.done $0x0  }
0x11f: {  	[sflag:s14] =	ssyncadd.s32 $0xFFFFD800  }
0x120: {  	_ =	swait.ge [sflag:s14], $0x2800  }
0x121: {  	[sflag:s14] =	ssyncset.done $0x0  }
0x122: {  	[sflag:s14] =	ssyncadd.s32 $0xFFFFD800  }
0x123: {  	_ =	swait.ge [sflag:s14], $0x2800  }
0x124: {  	[sflag:s14] =	ssyncset.done $0x0  }
0x125: {  	[sflag:s14] =	ssyncadd.s32 $0xFFFFD800  }
0x126: {  	_ =	swait.ge [sflag:s14], $0x2800  }
0x127: {  	[sflag:s14] =	ssyncset.done $0x0  }
0x128: {  	[sflag:s14] =	ssyncadd.s32 $0xFFFFD800  }
0x129: {  	_ =	swait.ge [sflag:s14], $0x2800  }
0x12a: {  	[sflag:s14] =	ssyncset.done $0x0  }
0x12b: {  	[sflag:s14] =	ssyncadd.s32 $0xFFFFD800  }
0x12c: {  	_ =	swait.ge [sflag:s14], $0x2800  }
0x12d: {  	[sflag:s14] =	ssyncset.done $0x0  }
0x12e: {  	[sflag:s14] =	ssyncadd.s32 $0xFFFFD800  }
0x12f: {  	_ =	swait.ge [sflag:s14], $0x2800  }
0x130: {  	[sflag:s14] =	ssyncset.done $0x0  }
0x131: {  	[sflag:s14] =	ssyncadd.s32 $0xFFFFD800  }
0x132: {  	_ =	swait.ge [sflag:s14], $0x2800  }
0x133: {  	[sflag:s14] =	ssyncset.done $0x0  }
0x134: {  	p0 =	sne.s32 s9, $0x800;
	[sflag:s14] =	ssyncadd.s32 $0xFFFFD800  }
.Ltmp0:
0x135: {  	_ =	swait.ge [sflag:s14], $0x2800;
	(pc) =	sbr.rel @p0 .LBB2_2-.Ltmp0, $4  }
0x136: {  	[sflag:s14] =	ssyncset.done $0x0  }
0x137: {  	[sflag:s14] =	ssyncadd.s32 $0xFFFFD800  }
0x138: {  	_ =	swait.ge [sflag:s14], $0x2800  }
0x139: {  	s9 =	sadd.s32 $0x200, s9;
	s10 =	rddreg [dreg:$0x4];
	[sflag:s14] =	ssyncset.done $0x0  }
0x13a: {  	[sflag:s14] =	ssyncadd.s32 $0xFFFFD800;
	s5 =	sadd.s32 s5, s10  }
0x13b: {  	[tilespmem:s15], [sflag:$0x2] =	stream.linear.gather [hbm4b:s5+s3], $0xC80, $0x38;
	[tilespmem:$0x17800] =	vst v63  }
0x13c: {  	_ =	swait.ge [sflag:s8], $0xC80  }
0x13d: {  	[sflag:s8] =	ssyncset.done $0x0  }
0x13e: {  	[sflag:s8] =	ssyncadd.s32 $0xFFFFF380  }
0x13f: {  	[spmem:s1] =	stream.indirect.scatter.add.f32 [tilespmem:s3], [sflag:$0x1], $0x80, s15, s16, $0xb8;
	[tilespmem:$0x17800] =	vst v63  }
0x140: {  	s17 =	rddreg [dreg:$0x5]  }
0x141: {  	[spmem:s1] =	stream.indirect.scatter.add.f32 [tilespmem:s3], [sflag:$0x1], $0x80, s17, s16, $0xb8;
	[tilespmem:$0x17800] =	vst v63  }
0x142: {  	s9 =	rddreg [dreg:$0x6]  }
0x143: {  	[spmem:s1] =	stream.indirect.scatter.add.f32 [tilespmem:s3], [sflag:$0x1], $0x80, s9, s16, $0xb8;
	[tilespmem:$0x17800] =	vst v63  }
0x144: {  	s9 =	simm.s32 $0x2980  }
0x145: {  	[spmem:s1] =	stream.indirect.scatter.add.f32 [tilespmem:s3], [sflag:$0x1], $0x80, s9, s16, $0xb8;
	[tilespmem:$0x17800] =	vst v63  }
0x146: {  	_ = 	snop  }
0x147: {  	[spmem:s1] =	stream.indirect.scatter.add.f32 [tilespmem:s3], [sflag:$0x1], $0x80, s18, s16, $0xb8;
	[tilespmem:$0x17800] =	vst v63  }
0x148: {  	_ = 	snop  }
0x149: {  	[spmem:s1] =	stream.indirect.scatter.add.f32 [tilespmem:s3], [sflag:$0x1], $0x80, s19, s16, $0xb8;
	[tilespmem:$0x17800] =	vst v63  }
0x14a: {  	_ = 	snop  }
0x14b: {  	[spmem:s1] =	stream.indirect.scatter.add.f32 [tilespmem:s3], [sflag:$0x1], $0x80, s20, s16, $0xb8;
	[tilespmem:$0x17800] =	vst v63  }
0x14c: {  	_ = 	snop  }
0x14d: {  	[spmem:s1] =	stream.indirect.scatter.add.f32 [tilespmem:s3], [sflag:$0x1], $0x80, s21, s16, $0xb8;
	[tilespmem:$0x17800] =	vst v63  }
0x14e: {  	_ = 	snop  }
0x14f: {  	[spmem:s1] =	stream.indirect.scatter.add.f32 [tilespmem:s3], [sflag:$0x1], $0x80, s22, s16, $0xb8;
	[tilespmem:$0x17800] =	vst v63  }
0x150: {  	_ = 	snop  }
0x151: {  	[spmem:s1] =	stream.indirect.scatter.add.f32 [tilespmem:s3], [sflag:$0x1], $0x80, s23, s16, $0xb8;
	[tilespmem:$0x17800] =	vst v63  }
0x152: {  	_ = 	snop  }
0x153: {  	[spmem:s1] =	stream.indirect.scatter.add.f32 [tilespmem:s3], [sflag:$0x1], $0x80, s24, s16, $0xb8;
	[tilespmem:$0x17800] =	vst v63  }
0x154: {  	_ = 	snop  }
0x155: {  	[spmem:s1] =	stream.indirect.scatter.add.f32 [tilespmem:s3], [sflag:$0x1], $0x80, s25, s16, $0xb8;
	[tilespmem:$0x17800] =	vst v63  }
0x156: {  	_ = 	snop  }
0x157: {  	[spmem:s1] =	stream.indirect.scatter.add.f32 [tilespmem:s3], [sflag:$0x1], $0x80, s26, s16, $0xb8;
	[tilespmem:$0x17800] =	vst v63  }
0x158: {  	_ = 	snop  }
0x159: {  	[spmem:s1] =	stream.indirect.scatter.add.f32 [tilespmem:s3], [sflag:$0x1], $0x80, s28, s16, $0xb8;
	[tilespmem:$0x17800] =	vst v63  }
0x15a: {  	_ = 	snop  }
0x15b: {  	[spmem:s1] =	stream.indirect.scatter.add.f32 [tilespmem:s3], [sflag:$0x1], $0x80, s29, s16, $0xb8;
	[tilespmem:$0x17800] =	vst v63  }
0x15c: {  	_ = 	snop  }
0x15d: {  	[spmem:s1] =	stream.indirect.scatter.add.f32 [tilespmem:s3], [sflag:$0x1], $0x80, s30, s16, $0xb8;
	[tilespmem:$0x17800] =	vst v63  }
0x15e: {  	_ = 	snop  }
0x15f: {  	[spmem:s1] =	stream.indirect.scatter.add.f32 [tilespmem:s3], [sflag:$0x1], $0x80, s31, s16, $0xb8;
	[tilespmem:$0x17800] =	vst v63  }
0x160: {  	_ = 	snop  }
0x161: {  	[spmem:s1] =	stream.indirect.scatter.add.f32 [tilespmem:s3], [sflag:$0x1], $0x80, s0, s16, $0xb8;
	[tilespmem:$0x17800] =	vst v63  }
0x162: {  	_ = 	snop  }
0x163: {  	[spmem:s1] =	stream.indirect.scatter.add.f32 [tilespmem:s3], [sflag:$0x1], $0x80, s2, s16, $0xb8;
	[tilespmem:$0x17800] =	vst v63  }
0x164: {  	_ = 	snop  }
0x165: {  	[spmem:s1] =	stream.indirect.scatter.add.f32 [tilespmem:s3], [sflag:$0x1], $0x80, s4, s16, $0xb8;
	[tilespmem:$0x17800] =	vst v63  }
0x166: {  	_ = 	snop  }
0x167: {  	[spmem:s1] =	stream.indirect.scatter.add.f32 [tilespmem:s3], [sflag:$0x1], $0x80, s6, s16, $0xb8;
	[tilespmem:$0x17800] =	vst v63  }
0x168: {  	_ = 	snop  }
0x169: {  	[spmem:s1] =	stream.indirect.scatter.add.f32 [tilespmem:s3], [sflag:$0x1], $0x80, s7, s16, $0xb8;
	[tilespmem:$0x17800] =	vst v63  }
0x16a: {  	_ = 	snop  }
0x16b: {  	[spmem:s1] =	stream.indirect.scatter.add.f32 [tilespmem:s3], [sflag:$0x1], $0x80, s11, s16, $0xb8;
	[tilespmem:$0x17800] =	vst v63  }
0x16c: {  	_ = 	snop  }
0x16d: {  	[spmem:s1] =	stream.indirect.scatter.add.f32 [tilespmem:s3], [sflag:$0x1], $0x80, s12, s16, $0xb8;
	[tilespmem:$0x17800] =	vst v63  }
0x16e: {  	_ = 	snop  }
0x16f: {  	[spmem:s1] =	stream.indirect.scatter.add.f32 [tilespmem:s3], [sflag:$0x1], $0x80, s13, s16, $0xb8;
	[tilespmem:$0x17800] =	vst v63  }
0x170: {  	_ =	swait.ge [sflag:s14], $0x2800  }
0x171: {  	[sflag:s14] =	ssyncset.done $0x0  }
0x172: {  	[sflag:s14] =	ssyncadd.s32 $0xFFFFD800  }
0x173: {  	_ =	swait.ge [sflag:s14], $0x2800  }
0x174: {  	[sflag:s14] =	ssyncset.done $0x0  }
0x175: {  	[sflag:s14] =	ssyncadd.s32 $0xFFFFD800  }
0x176: {  	_ =	swait.ge [sflag:s14], $0x2800  }
0x177: {  	[sflag:s14] =	ssyncset.done $0x0  }
0x178: {  	[sflag:s14] =	ssyncadd.s32 $0xFFFFD800  }
0x179: {  	_ =	swait.ge [sflag:s14], $0x2800  }
0x17a: {  	[sflag:s14] =	ssyncset.done $0x0  }
0x17b: {  	[sflag:s14] =	ssyncadd.s32 $0xFFFFD800  }
0x17c: {  	_ =	swait.ge [sflag:s14], $0x2800  }
0x17d: {  	[sflag:s14] =	ssyncset.done $0x0  }
0x17e: {  	[sflag:s14] =	ssyncadd.s32 $0xFFFFD800  }
0x17f: {  	_ =	swait.ge [sflag:s14], $0x2800  }
0x180: {  	[sflag:s14] =	ssyncset.done $0x0  }
0x181: {  	[sflag:s14] =	ssyncadd.s32 $0xFFFFD800  }
0x182: {  	_ =	swait.ge [sflag:s14], $0x2800  }
0x183: {  	[sflag:s14] =	ssyncset.done $0x0  }
0x184: {  	[sflag:s14] =	ssyncadd.s32 $0xFFFFD800  }
0x185: {  	_ =	swait.ge [sflag:s14], $0x2800  }
0x186: {  	[sflag:s14] =	ssyncset.done $0x0  }
0x187: {  	[sflag:s14] =	ssyncadd.s32 $0xFFFFD800  }
0x188: {  	_ =	swait.ge [sflag:s14], $0x2800  }
0x189: {  	[sflag:s14] =	ssyncset.done $0x0  }
0x18a: {  	[sflag:s14] =	ssyncadd.s32 $0xFFFFD800  }
0x18b: {  	_ =	swait.ge [sflag:s14], $0x2800  }
0x18c: {  	[sflag:s14] =	ssyncset.done $0x0  }
0x18d: {  	[sflag:s14] =	ssyncadd.s32 $0xFFFFD800  }
0x18e: {  	_ =	swait.ge [sflag:s14], $0x2800  }
0x18f: {  	[sflag:s14] =	ssyncset.done $0x0  }
0x190: {  	[sflag:s14] =	ssyncadd.s32 $0xFFFFD800  }
0x191: {  	_ =	swait.ge [sflag:s14], $0x2800  }
0x192: {  	[sflag:s14] =	ssyncset.done $0x0  }
0x193: {  	[sflag:s14] =	ssyncadd.s32 $0xFFFFD800  }
0x194: {  	_ =	swait.ge [sflag:s14], $0x2800  }
0x195: {  	[sflag:s14] =	ssyncset.done $0x0  }
0x196: {  	[sflag:s14] =	ssyncadd.s32 $0xFFFFD800  }
0x197: {  	_ =	swait.ge [sflag:s14], $0x2800  }
0x198: {  	[sflag:s14] =	ssyncset.done $0x0  }
0x199: {  	[sflag:s14] =	ssyncadd.s32 $0xFFFFD800  }
0x19a: {  	_ =	swait.ge [sflag:s14], $0x2800  }
0x19b: {  	[sflag:s14] =	ssyncset.done $0x0  }
0x19c: {  	[sflag:s14] =	ssyncadd.s32 $0xFFFFD800  }
0x19d: {  	_ =	swait.ge [sflag:s14], $0x2800  }
0x19e: {  	[sflag:s14] =	ssyncset.done $0x0  }
0x19f: {  	[sflag:s14] =	ssyncadd.s32 $0xFFFFD800  }
0x1a0: {  	_ =	swait.ge [sflag:s14], $0x2800  }
0x1a1: {  	[sflag:s14] =	ssyncset.done $0x0  }
0x1a2: {  	[sflag:s14] =	ssyncadd.s32 $0xFFFFD800  }
0x1a3: {  	_ =	swait.ge [sflag:s14], $0x2800  }
0x1a4: {  	[sflag:s14] =	ssyncset.done $0x0  }
0x1a5: {  	[sflag:s14] =	ssyncadd.s32 $0xFFFFD800  }
0x1a6: {  	_ =	swait.ge [sflag:s14], $0x2800  }
0x1a7: {  	[sflag:s14] =	ssyncset.done $0x0  }
0x1a8: {  	[sflag:s14] =	ssyncadd.s32 $0xFFFFD800  }
0x1a9: {  	_ =	swait.ge [sflag:s14], $0x2800  }
0x1aa: {  	[sflag:s14] =	ssyncset.done $0x0  }
0x1ab: {  	[sflag:s14] =	ssyncadd.s32 $0xFFFFD800  }
0x1ac: {  	_ =	swait.ge [sflag:s14], $0x2800  }
0x1ad: {  	[sflag:s14] =	ssyncset.done $0x0  }
0x1ae: {  	[sflag:s14] =	ssyncadd.s32 $0xFFFFD800  }
0x1af: {  	_ =	swait.ge [sflag:s14], $0x2800  }
0x1b0: {  	[sflag:s14] =	ssyncset.done $0x0  }
0x1b1: {  	[sflag:s14] =	ssyncadd.s32 $0xFFFFD800  }
0x1b2: {  	_ =	swait.ge [sflag:s14], $0x2800  }
0x1b3: {  	[sflag:s14] =	ssyncset.done $0x0  }
0x1b4: {  	[sflag:s14] =	ssyncadd.s32 $0xFFFFD800  }
0x1b5: {  	_ =	swait.ge [sflag:s14], $0x2800  }
0x1b6: {  	[sflag:s14] =	ssyncset.done $0x0  }
0x1b7: {  	[sflag:s14] =	ssyncadd.s32 $0xFFFFD800  }
0x1b8: {  	_ =	swait.ge [sflag:s14], $0x2800  }
0x1b9: {  	[sflag:s14] =	ssyncset.done $0x0  }
0x1ba: {  	[sflag:s14] =	ssyncadd.s32 $0xFFFFD800  }
0x1bb: {  	[bflag:$0x0] =	sbarrier.arrive $0xFFFF  }
0x1bc: {  	s10 =	rddreg [dreg:$0x9]  }
0x1bd: {  	s17 =	rddreg [dreg:$0xb]  }
0x1be: {  	s9 =	rddreg [dreg:$0xc]  }
0x1bf: {  	[hbm:s10], [sflag:s17] =	dma.local [spmem:s9], $0x2800  }
0x1c0: {  	_ =	swait.ge [sflag:s8], $0x2800  }
0x1c1: {  	s5 =	rddreg [dreg:$0x11]  }
0x1c2: {  	s10 =	sadd.s32 $0x1, s5;
	s5 =	rddreg [dreg:$0xa]  }
0x1c3: {  	p0 =	sne.s32 s10, s5  }
.Ltmp1:
0x1c4: {  	_ = 	snop;
	(pc) =	sbr.rel @p0 .LBB2_1-.Ltmp1, $3  }
0x1c5: {  	_ =	sdelay $0x1  }
0x1c6: {  	[sflag:s8] =	ssyncset.done $0x0  }
0x1c7: {  	[sflag:s8] =	ssyncadd.s32 $0xFFFFD800  }
0x1c8: {  	_ =	sfence.sel $0x180000  }
0x1c9: {  	[bflag:$0x0] =	sbarrier.arrive $0xFFFF  }
0x1ca: {  	_ =	strace $0x90000047  }
0x1cb: {  	s0 =	stileid.u32;
	[bflag:$0x2] =	sbarrier.arrive $0xFFFF  }
0x1cc: {  	p0 =	sne.s32 s0, $0x0;
	s0 =	rddreg [dreg:$0x3]  }
0x1cd: {  	s0 =	sadd.s32 @!p0 $0x100000, s0  }
0x1ce: {  	[sflag:s0] =	ssyncadd.tile.s32 @!p0 $0x1;
	_ =	shalt  }
.Lfunc_end2:
_tile_overlayer_lowered:
.L_overlay_start_2:
0x1cf: {  	(tag) =	ssettag $0x2  }
0x1d0: {  	s0 =	rddreg [dreg:$0x0];
	s2 =	stileid.u32  }
0x1d1: {  	s1 =	rddreg [dreg:$0x1];
	p0 =	sne.s32 s2, $0x0  }
0x1d2: {  	s3 =	rddreg [dreg:$0x2];
	[bflag:$0x3] =	sbarrier.arrive $0xFFFF;
	s2 =	simm.s32 @!p0 $0x1C02  }
0x1d3: {  	[timem:s3], [sflag:s2] =	dma.local @!p0 [hbm:s0], s1  }
0x1d4: {  	s0 =	simm.s32 @!p0 $0x2  }
0x1d5: {  	_ =	swait.ge @!p0 [sflag:s0], s1  }
0x1d6: {  	s1 =	ssub.s32 @!p0 $0x0, s1;
	[sflag:s0] =	ssyncset.done @!p0 $0x0  }
0x1d7: {  	[sflag:s0] =	ssyncadd.s32 @!p0 s1  }
0x1d8: {  	[bflag:$0x3] =	sbarrier.arrive $0xFFFF  }
0x1d9: {  	_ =	shalt  }

</sc_bundles>
